<compile_context>
chip_gen: v7x
topology: tpu7x:2x2x1
jax: 0.10.2.dev20260603
libtpu: 0.0.44.dev20260713+nightly
codegen_flags: <defaults>
</compile_context>

<pallas_src>
import functools

import jax
import jax.numpy as jnp
from jax import lax
from jax.experimental import pallas as pl
from jax.experimental.pallas import tpu as pltpu
from jax.experimental.pallas import tpu_sc as plsc

DIM = 64
L = 200
LANES = 16
NCOL = DIM // LANES
CH0 = 128
CH1 = L - CH0
RED_UNROLL = 8
NUM_CORES = 2
NUM_SUBCORES = 16
NW = NUM_CORES * NUM_SUBCORES


def _make_kernel(B):
    b_per_w = B // NW
    mesh = plsc.VectorSubcoreMesh(core_axis_name="c", subcore_axis_name="s")

    @functools.partial(
        pl.kernel,
        mesh=mesh,
        out_type=jax.ShapeDtypeStruct((B, DIM), jnp.float32),
        compiler_params=pltpu.CompilerParams(use_tc_tiling_on_sc=False),
        scratch_types=[
            pltpu.VMEM((b_per_w * L,), jnp.int32),
            pltpu.VMEM((L, DIM), jnp.float32),
            pltpu.VMEM((L, DIM), jnp.float32),
            pltpu.VMEM((b_per_w, DIM), jnp.float32),
            pltpu.SemaphoreType.DMA,
            pltpu.SemaphoreType.DMA,
        ],
    )
    def k(table_hbm, idx_hbm, out_hbm, idx_v, buf0, buf1, out_v, sem0, sem1):
        wid = lax.axis_index("s") * NUM_CORES + lax.axis_index("c")
        base = wid * b_per_w * L
        pltpu.sync_copy(idx_hbm.at[pl.ds(base, b_per_w * L)], idx_v)

        def start(e, buf, sem):
            off = e * L
            pltpu.async_copy(
                table_hbm.at[idx_v.at[pl.ds(off, CH0)]],
                buf.at[pl.ds(0, CH0), :],
                sem,
            )
            pltpu.async_copy(
                table_hbm.at[idx_v.at[pl.ds(off + CH0, CH1)]],
                buf.at[pl.ds(CH0, CH1), :],
                sem,
            )

        def wait(buf, sem):
            pltpu.make_async_copy(table_hbm.at[pl.ds(0, L), :], buf, sem).wait()

        def reduce_store(e, buf):
            def body(i, carry):
                accs = list(carry)
                r = i * RED_UNROLL
                for u in range(RED_UNROLL):
                    for c in range(NCOL):
                        accs[c] = accs[c] + buf[r + u, pl.ds(c * LANES, LANES)]
                return tuple(accs)

            z = jnp.zeros((LANES,), jnp.float32)
            accs = lax.fori_loop(0, L // RED_UNROLL, body, (z,) * NCOL)
            for c in range(NCOL):
                m = accs[c] * (1.0 / L)
                out_v[e, pl.ds(c * LANES, LANES)] = 1.0 / (1.0 + jnp.exp(-m))

        start(0, buf0, sem0)
        start(1, buf1, sem1)

        def outer(g, carry):
            e0 = 2 * g
            wait(buf0, sem0)
            reduce_store(e0, buf0)

            @pl.when(e0 + 2 < b_per_w)
            def _():
                start(e0 + 2, buf0, sem0)

            wait(buf1, sem1)
            reduce_store(e0 + 1, buf1)

            @pl.when(e0 + 3 < b_per_w)
            def _():
                start(e0 + 3, buf1, sem1)

            return carry

        lax.fori_loop(0, b_per_w // 2, outer, 0)
        pltpu.sync_copy(out_v, out_hbm.at[pl.ds(wid * b_per_w, b_per_w), :])

    return k


def kernel(indices, table):
    B, seq = indices.shape
    assert seq == L and B % NW == 0
    flat = indices.reshape(-1)
    return _make_kernel(B)(table, flat)

# --- scband reference (transcript-rebuilt; emitter-appended) ---
"""Pipeline reference for scband-language-cortex-25228637896777 (READ-ONLY COPY).

The authoritative reference and input builder live on the scoring server;
editing this copy changes nothing except your own understanding.
"""

import jax, jax.numpy as jnp
import numpy as np

VOCAB = 1000000
DIM = 64
B = 4096
L = 200


def setup_inputs(seed: int = 0) -> dict:
    key = jax.random.key(seed)
    k1, k2 = jax.random.split(key)
    indices = jax.random.randint(k1, (B, L), 0, VOCAB, dtype=jnp.int32)
    table = jax.random.normal(k2, (VOCAB, DIM), dtype=jnp.float32)
    return {"indices": indices, "table": table}


def reference(indices, table):
    # Faithful translation of LanguageCortex.text_to_spikes, batched over B texts:
    # embedding lookup -> mean-pool over tokens -> sigmoid rate coding.
    emb = jnp.take(table, indices, axis=0)        # [B, L, DIM]
    pooled = emb.mean(axis=1)                     # [B, DIM] (mean over token axis, as dim=0 in unbatched torch)
    rates = jax.nn.sigmoid(pooled)                # [B, DIM] in [0, 1]
    return rates

if __name__ == "__main__":
    import jax
    _d = setup_inputs()
    print(jax.jit(kernel)(*tuple(_d.values())))

</pallas_src>

<mosaic_0001>
#map = affine_map<(d0, d1) -> (0, 0)>
#map1 = affine_map<(d0, d1) -> (0)>
module attributes {stable_mosaic.version = 14 : i64} {
  func.func @k(%arg0: i32, %arg1: i32, %arg2: memref<1000000x64xf32, #tpu.memory_space<hbm>>, %arg3: memref<819200xi32, #tpu.memory_space<hbm>>, %arg4: memref<4096x64xf32, #tpu.memory_space<hbm>>, %arg5: memref<25600xi32, #tpu.memory_space<vmem>>, %arg6: memref<200x64xf32, #tpu.memory_space<vmem>>, %arg7: memref<200x64xf32, #tpu.memory_space<vmem>>, %arg8: memref<128x64xf32, #tpu.memory_space<vmem>>, %arg9: memref<!tpu.dma_semaphore, #tpu.memory_space<semaphore_mem>>, %arg10: memref<!tpu.dma_semaphore, #tpu.memory_space<semaphore_mem>>) attributes {dimension_semantics = [#tpu.dimension_semantics<core_parallel>, #tpu.dimension_semantics<subcore_parallel>], iteration_bounds = array<i64: 2, 16>, scalar_prefetch = 0 : i64, scratch_operands = 6 : i64, tpu.core_type = #tpu.core_type<sc_vector_subcore>, window_params = [{transform_indices = #map}, {transform_indices = #map1}, {transform_indices = #map}]} {
    %mul3A = arith.constant 2 : i32
    %mul3A_0 = arith.muli %arg1, %mul3A : i32
    %add3A = arith.addi %mul3A_0, %arg0 : i32
    %mul3A_1 = arith.constant 128 : i32
    %mul3A_2 = arith.muli %add3A, %mul3A_1 : i32
    %mul3A_3 = arith.constant 200 : i32
    %mul3A_4 = arith.muli %mul3A_2, %mul3A_3 : i32
    "tpu.region"() ({
      %run_scoped3A = tpu.sem_alloc : memref<!tpu.dma_semaphore, #tpu.memory_space<semaphore_mem>>
      %dma_start3A_43 = tpu.memref_slice %arg3[%mul3A_4] : memref<819200xi32, #tpu.memory_space<hbm>> -> memref<25600xi32, #tpu.memory_space<hbm>>
      %dma_start3A_44 = tpu.memref_slice %arg3[%mul3A_4] : memref<819200xi32, #tpu.memory_space<hbm>> -> memref<25600xi32, #tpu.memory_space<hbm>>
      tpu.enqueue_dma source(%dma_start3A_44 : memref<25600xi32, #tpu.memory_space<hbm>>) target(%arg5 : memref<25600xi32, #tpu.memory_space<vmem>>) target_semaphore(%run_scoped3A : memref<!tpu.dma_semaphore, #tpu.memory_space<semaphore_mem>>)
      %dma_wait3A = tpu.memref_slice %arg3[%mul3A_4] : memref<819200xi32, #tpu.memory_space<hbm>> -> memref<25600xi32, #tpu.memory_space<hbm>>
      %dma_wait3A_45 = tpu.memref_slice %arg3[%mul3A_4] : memref<819200xi32, #tpu.memory_space<hbm>> -> memref<25600xi32, #tpu.memory_space<hbm>>
      tpu.wait_dma2 semaphore(%run_scoped3A : memref<!tpu.dma_semaphore, #tpu.memory_space<semaphore_mem>>) src(%dma_wait3A_45 : memref<25600xi32, #tpu.memory_space<hbm>>) dst(%arg5 : memref<25600xi32, #tpu.memory_space<vmem>>)
      tpu.yield
    }) : () -> ()
    %dma_start3A = arith.constant 0 : i32
    %dma_start3A_5 = arith.constant 0 : i32
    %dma_start3A_6 = tpu.memref_slice %arg6[%dma_start3A, %dma_start3A_5] : memref<200x64xf32, #tpu.memory_space<vmem>> -> memref<128x64xf32, #tpu.memory_space<vmem>>
    %dma_start3A_7 = arith.constant 0 : i32
    %dma_start3A_8 = tpu.memref_slice %arg5[%dma_start3A_7] : memref<25600xi32, #tpu.memory_space<vmem>> -> memref<128xi32, #tpu.memory_space<vmem>>
    %dma_start3A_9 = arith.constant 0 : i32
    %dma_start3A_10 = arith.constant 0 : i32
    %dma_start3A_11 = tpu.memref_slice %arg2[%dma_start3A_9, %dma_start3A_10] : memref<1000000x64xf32, #tpu.memory_space<hbm>> -> memref<1000000x64xf32, #tpu.memory_space<hbm>>
    tpu.enqueue_indirect_dma source(%dma_start3A_11 : memref<1000000x64xf32, #tpu.memory_space<hbm>>) target(%dma_start3A_6 : memref<128x64xf32, #tpu.memory_space<vmem>>) offsets(%dma_start3A_8 : memref<128xi32, #tpu.memory_space<vmem>>) semaphore(%arg9 : memref<!tpu.dma_semaphore, #tpu.memory_space<semaphore_mem>>)
    %dma_start3A_12 = arith.constant 128 : i32
    %dma_start3A_13 = arith.constant 0 : i32
    %dma_start3A_14 = tpu.memref_slice %arg6[%dma_start3A_12, %dma_start3A_13] : memref<200x64xf32, #tpu.memory_space<vmem>> -> memref<72x64xf32, #tpu.memory_space<vmem>>
    %dma_start3A_15 = arith.constant 128 : i32
    %dma_start3A_16 = tpu.memref_slice %arg5[%dma_start3A_15] : memref<25600xi32, #tpu.memory_space<vmem>> -> memref<72xi32, #tpu.memory_space<vmem>>
    %dma_start3A_17 = arith.constant 0 : i32
    %dma_start3A_18 = arith.constant 0 : i32
    %dma_start3A_19 = tpu.memref_slice %arg2[%dma_start3A_17, %dma_start3A_18] : memref<1000000x64xf32, #tpu.memory_space<hbm>> -> memref<1000000x64xf32, #tpu.memory_space<hbm>>
    tpu.enqueue_indirect_dma source(%dma_start3A_19 : memref<1000000x64xf32, #tpu.memory_space<hbm>>) target(%dma_start3A_14 : memref<72x64xf32, #tpu.memory_space<vmem>>) offsets(%dma_start3A_16 : memref<72xi32, #tpu.memory_space<vmem>>) semaphore(%arg9 : memref<!tpu.dma_semaphore, #tpu.memory_space<semaphore_mem>>)
    %dma_start3A_20 = arith.constant 0 : i32
    %dma_start3A_21 = arith.constant 0 : i32
    %dma_start3A_22 = tpu.memref_slice %arg7[%dma_start3A_20, %dma_start3A_21] : memref<200x64xf32, #tpu.memory_space<vmem>> -> memref<128x64xf32, #tpu.memory_space<vmem>>
    %dma_start3A_23 = arith.constant 200 : i32
    %dma_start3A_24 = tpu.memref_slice %arg5[%dma_start3A_23] : memref<25600xi32, #tpu.memory_space<vmem>> -> memref<128xi32, #tpu.memory_space<vmem>>
    %dma_start3A_25 = arith.constant 0 : i32
    %dma_start3A_26 = arith.constant 0 : i32
    %dma_start3A_27 = tpu.memref_slice %arg2[%dma_start3A_25, %dma_start3A_26] : memref<1000000x64xf32, #tpu.memory_space<hbm>> -> memref<1000000x64xf32, #tpu.memory_space<hbm>>
    tpu.enqueue_indirect_dma source(%dma_start3A_27 : memref<1000000x64xf32, #tpu.memory_space<hbm>>) target(%dma_start3A_22 : memref<128x64xf32, #tpu.memory_space<vmem>>) offsets(%dma_start3A_24 : memref<128xi32, #tpu.memory_space<vmem>>) semaphore(%arg10 : memref<!tpu.dma_semaphore, #tpu.memory_space<semaphore_mem>>)
    %dma_start3A_28 = arith.constant 128 : i32
    %dma_start3A_29 = arith.constant 0 : i32
    %dma_start3A_30 = tpu.memref_slice %arg7[%dma_start3A_28, %dma_start3A_29] : memref<200x64xf32, #tpu.memory_space<vmem>> -> memref<72x64xf32, #tpu.memory_space<vmem>>
    %dma_start3A_31 = arith.constant 328 : i32
    %dma_start3A_32 = tpu.memref_slice %arg5[%dma_start3A_31] : memref<25600xi32, #tpu.memory_space<vmem>> -> memref<72xi32, #tpu.memory_space<vmem>>
    %dma_start3A_33 = arith.constant 0 : i32
    %dma_start3A_34 = arith.constant 0 : i32
    %dma_start3A_35 = tpu.memref_slice %arg2[%dma_start3A_33, %dma_start3A_34] : memref<1000000x64xf32, #tpu.memory_space<hbm>> -> memref<1000000x64xf32, #tpu.memory_space<hbm>>
    tpu.enqueue_indirect_dma source(%dma_start3A_35 : memref<1000000x64xf32, #tpu.memory_space<hbm>>) target(%dma_start3A_30 : memref<72x64xf32, #tpu.memory_space<vmem>>) offsets(%dma_start3A_32 : memref<72xi32, #tpu.memory_space<vmem>>) semaphore(%arg10 : memref<!tpu.dma_semaphore, #tpu.memory_space<semaphore_mem>>)
    %scan3A = arith.constant 0 : i32
    %scan3A_36 = arith.constant 0 : i32
    %scan3A_37 = arith.constant 64 : i32
    %scan3A_38 = arith.addi %scan3A_36, %scan3A_37 : i32
    %scan3A_39 = arith.constant 1 : i32
    scf.for %scan3A_43 = %scan3A_36 to %scan3A_38 step %scan3A_39  : i32 {
      %mul3A_44 = arith.constant 2 : i32
      %mul3A_45 = arith.muli %mul3A_44, %scan3A_43 : i32
      %dma_wait3A = arith.constant 0 : i32
      %dma_wait3A_46 = arith.constant 0 : i32
      %dma_wait3A_47 = tpu.memref_slice %arg2[%dma_wait3A, %dma_wait3A_46] : memref<1000000x64xf32, #tpu.memory_space<hbm>> -> memref<200x64xf32, #tpu.memory_space<hbm>>
      %dma_wait3A_48 = arith.constant 0 : i32
      %dma_wait3A_49 = arith.constant 0 : i32
      %dma_wait3A_50 = tpu.memref_slice %arg2[%dma_wait3A_48, %dma_wait3A_49] : memref<1000000x64xf32, #tpu.memory_space<hbm>> -> memref<200x64xf32, #tpu.memory_space<hbm>>
      tpu.wait_dma2 semaphore(%arg9 : memref<!tpu.dma_semaphore, #tpu.memory_space<semaphore_mem>>) src(%dma_wait3A_50 : memref<200x64xf32, #tpu.memory_space<hbm>>) dst(%arg6 : memref<200x64xf32, #tpu.memory_space<vmem>>)
      %broadcast_in_dim3A = arith.constant 0.000000e+00 : f32
      %broadcast_in_dim3A_51 = vector.broadcast %broadcast_in_dim3A : f32 to vector<16xf32>
      %scan3A_52 = arith.constant 0 : i32
      %scan3A_53 = arith.constant 25 : i32
      %scan3A_54 = arith.addi %scan3A_52, %scan3A_53 : i32
      %scan3A_55 = arith.constant 1 : i32
      %scan3A_56:4 = scf.for %scan3A_225 = %scan3A_52 to %scan3A_54 step %scan3A_55 iter_args(%scan3A_226 = %broadcast_in_dim3A_51, %scan3A_227 = %broadcast_in_dim3A_51, %scan3A_228 = %broadcast_in_dim3A_51, %scan3A_229 = %broadcast_in_dim3A_51) -> (vector<16xf32>, vector<16xf32>, vector<16xf32>, vector<16xf32>)  : i32 {
        %mul3A_230 = arith.constant 8 : i32
        %mul3A_231 = arith.muli %scan3A_225, %mul3A_230 : i32
        %add3A_232 = arith.constant 0 : i32
        %add3A_233 = arith.addi %mul3A_231, %add3A_232 : i32
        %get3A = arith.index_cast %add3A_233 : i32 to index
        %get3A_234 = arith.constant 0 : index
        %get3A_235 = tpu.vector_load %arg6[%get3A, %get3A_234] {strides = array<i32>} : memref<200x64xf32, #tpu.memory_space<vmem>>, vector<1x16xf32>,
        %get3A_236 = vector.shape_cast %get3A_235 : vector<1x16xf32> to vector<16xf32>
        %add3A_237 = arith.addf %scan3A_226, %get3A_236 : vector<16xf32>
        %add3A_238 = arith.constant 0 : i32
        %add3A_239 = arith.addi %mul3A_231, %add3A_238 : i32
        %get3A_240 = arith.index_cast %add3A_239 : i32 to index
        %get3A_241 = arith.constant 16 : index
        %get3A_242 = tpu.vector_load %arg6[%get3A_240, %get3A_241] {strides = array<i32>} : memref<200x64xf32, #tpu.memory_space<vmem>>, vector<1x16xf32>,
        %get3A_243 = vector.shape_cast %get3A_242 : vector<1x16xf32> to vector<16xf32>
        %add3A_244 = arith.addf %scan3A_227, %get3A_243 : vector<16xf32>
        %add3A_245 = arith.constant 0 : i32
        %add3A_246 = arith.addi %mul3A_231, %add3A_245 : i32
        %get3A_247 = arith.index_cast %add3A_246 : i32 to index
        %get3A_248 = arith.constant 32 : index
        %get3A_249 = tpu.vector_load %arg6[%get3A_247, %get3A_248] {strides = array<i32>} : memref<200x64xf32, #tpu.memory_space<vmem>>, vector<1x16xf32>,
        %get3A_250 = vector.shape_cast %get3A_249 : vector<1x16xf32> to vector<16xf32>
        %add3A_251 = arith.addf %scan3A_228, %get3A_250 : vector<16xf32>
        %add3A_252 = arith.constant 0 : i32
        %add3A_253 = arith.addi %mul3A_231, %add3A_252 : i32
        %get3A_254 = arith.index_cast %add3A_253 : i32 to index
        %get3A_255 = arith.constant 48 : index
        %get3A_256 = tpu.vector_load %arg6[%get3A_254, %get3A_255] {strides = array<i32>} : memref<200x64xf32, #tpu.memory_space<vmem>>, vector<1x16xf32>,
        %get3A_257 = vector.shape_cast %get3A_256 : vector<1x16xf32> to vector<16xf32>
        %add3A_258 = arith.addf %scan3A_229, %get3A_257 : vector<16xf32>
        %add3A_259 = arith.constant 1 : i32
        %add3A_260 = arith.addi %mul3A_231, %add3A_259 : i32
        %get3A_261 = arith.index_cast %add3A_260 : i32 to index
        %get3A_262 = arith.constant 0 : index
        %get3A_263 = tpu.vector_load %arg6[%get3A_261, %get3A_262] {strides = array<i32>} : memref<200x64xf32, #tpu.memory_space<vmem>>, vector<1x16xf32>,
        %get3A_264 = vector.shape_cast %get3A_263 : vector<1x16xf32> to vector<16xf32>
        %add3A_265 = arith.addf %add3A_237, %get3A_264 : vector<16xf32>
        %add3A_266 = arith.constant 1 : i32
        %add3A_267 = arith.addi %mul3A_231, %add3A_266 : i32
        %get3A_268 = arith.index_cast %add3A_267 : i32 to index
        %get3A_269 = arith.constant 16 : index
        %get3A_270 = tpu.vector_load %arg6[%get3A_268, %get3A_269] {strides = array<i32>} : memref<200x64xf32, #tpu.memory_space<vmem>>, vector<1x16xf32>,
        %get3A_271 = vector.shape_cast %get3A_270 : vector<1x16xf32> to vector<16xf32>
        %add3A_272 = arith.addf %add3A_244, %get3A_271 : vector<16xf32>
        %add3A_273 = arith.constant 1 : i32
        %add3A_274 = arith.addi %mul3A_231, %add3A_273 : i32
        %get3A_275 = arith.index_cast %add3A_274 : i32 to index
        %get3A_276 = arith.constant 32 : index
        %get3A_277 = tpu.vector_load %arg6[%get3A_275, %get3A_276] {strides = array<i32>} : memref<200x64xf32, #tpu.memory_space<vmem>>, vector<1x16xf32>,
        %get3A_278 = vector.shape_cast %get3A_277 : vector<1x16xf32> to vector<16xf32>
        %add3A_279 = arith.addf %add3A_251, %get3A_278 : vector<16xf32>
        %add3A_280 = arith.constant 1 : i32
        %add3A_281 = arith.addi %mul3A_231, %add3A_280 : i32
        %get3A_282 = arith.index_cast %add3A_281 : i32 to index
        %get3A_283 = arith.constant 48 : index
        %get3A_284 = tpu.vector_load %arg6[%get3A_282, %get3A_283] {strides = array<i32>} : memref<200x64xf32, #tpu.memory_space<vmem>>, vector<1x16xf32>,
        %get3A_285 = vector.shape_cast %get3A_284 : vector<1x16xf32> to vector<16xf32>
        %add3A_286 = arith.addf %add3A_258, %get3A_285 : vector<16xf32>
        %add3A_287 = arith.constant 2 : i32
        %add3A_288 = arith.addi %mul3A_231, %add3A_287 : i32
        %get3A_289 = arith.index_cast %add3A_288 : i32 to index
        %get3A_290 = arith.constant 0 : index
        %get3A_291 = tpu.vector_load %arg6[%get3A_289, %get3A_290] {strides = array<i32>} : memref<200x64xf32, #tpu.memory_space<vmem>>, vector<1x16xf32>,
        %get3A_292 = vector.shape_cast %get3A_291 : vector<1x16xf32> to vector<16xf32>
        %add3A_293 = arith.addf %add3A_265, %get3A_292 : vector<16xf32>
        %add3A_294 = arith.constant 2 : i32
        %add3A_295 = arith.addi %mul3A_231, %add3A_294 : i32
        %get3A_296 = arith.index_cast %add3A_295 : i32 to index
        %get3A_297 = arith.constant 16 : index
        %get3A_298 = tpu.vector_load %arg6[%get3A_296, %get3A_297] {strides = array<i32>} : memref<200x64xf32, #tpu.memory_space<vmem>>, vector<1x16xf32>,
        %get3A_299 = vector.shape_cast %get3A_298 : vector<1x16xf32> to vector<16xf32>
        %add3A_300 = arith.addf %add3A_272, %get3A_299 : vector<16xf32>
        %add3A_301 = arith.constant 2 : i32
        %add3A_302 = arith.addi %mul3A_231, %add3A_301 : i32
        %get3A_303 = arith.index_cast %add3A_302 : i32 to index
        %get3A_304 = arith.constant 32 : index
        %get3A_305 = tpu.vector_load %arg6[%get3A_303, %get3A_304] {strides = array<i32>} : memref<200x64xf32, #tpu.memory_space<vmem>>, vector<1x16xf32>,
        %get3A_306 = vector.shape_cast %get3A_305 : vector<1x16xf32> to vector<16xf32>
        %add3A_307 = arith.addf %add3A_279, %get3A_306 : vector<16xf32>
        %add3A_308 = arith.constant 2 : i32
        %add3A_309 = arith.addi %mul3A_231, %add3A_308 : i32
        %get3A_310 = arith.index_cast %add3A_309 : i32 to index
        %get3A_311 = arith.constant 48 : index
        %get3A_312 = tpu.vector_load %arg6[%get3A_310, %get3A_311] {strides = array<i32>} : memref<200x64xf32, #tpu.memory_space<vmem>>, vector<1x16xf32>,
        %get3A_313 = vector.shape_cast %get3A_312 : vector<1x16xf32> to vector<16xf32>
        %add3A_314 = arith.addf %add3A_286, %get3A_313 : vector<16xf32>
        %add3A_315 = arith.constant 3 : i32
        %add3A_316 = arith.addi %mul3A_231, %add3A_315 : i32
        %get3A_317 = arith.index_cast %add3A_316 : i32 to index
        %get3A_318 = arith.constant 0 : index
        %get3A_319 = tpu.vector_load %arg6[%get3A_317, %get3A_318] {strides = array<i32>} : memref<200x64xf32, #tpu.memory_space<vmem>>, vector<1x16xf32>,
        %get3A_320 = vector.shape_cast %get3A_319 : vector<1x16xf32> to vector<16xf32>
        %add3A_321 = arith.addf %add3A_293, %get3A_320 : vector<16xf32>
        %add3A_322 = arith.constant 3 : i32
        %add3A_323 = arith.addi %mul3A_231, %add3A_322 : i32
        %get3A_324 = arith.index_cast %add3A_323 : i32 to index
        %get3A_325 = arith.constant 16 : index
        %get3A_326 = tpu.vector_load %arg6[%get3A_324, %get3A_325] {strides = array<i32>} : memref<200x64xf32, #tpu.memory_space<vmem>>, vector<1x16xf32>,
        %get3A_327 = vector.shape_cast %get3A_326 : vector<1x16xf32> to vector<16xf32>
        %add3A_328 = arith.addf %add3A_300, %get3A_327 : vector<16xf32>
        %add3A_329 = arith.constant 3 : i32
        %add3A_330 = arith.addi %mul3A_231, %add3A_329 : i32
        %get3A_331 = arith.index_cast %add3A_330 : i32 to index
        %get3A_332 = arith.constant 32 : index
        %get3A_333 = tpu.vector_load %arg6[%get3A_331, %get3A_332] {strides = array<i32>} : memref<200x64xf32, #tpu.memory_space<vmem>>, vector<1x16xf32>,
        %get3A_334 = vector.shape_cast %get3A_333 : vector<1x16xf32> to vector<16xf32>
        %add3A_335 = arith.addf %add3A_307, %get3A_334 : vector<16xf32>
        %add3A_336 = arith.constant 3 : i32
        %add3A_337 = arith.addi %mul3A_231, %add3A_336 : i32
        %get3A_338 = arith.index_cast %add3A_337 : i32 to index
        %get3A_339 = arith.constant 48 : index
        %get3A_340 = tpu.vector_load %arg6[%get3A_338, %get3A_339] {strides = array<i32>} : memref<200x64xf32, #tpu.memory_space<vmem>>, vector<1x16xf32>,
        %get3A_341 = vector.shape_cast %get3A_340 : vector<1x16xf32> to vector<16xf32>
        %add3A_342 = arith.addf %add3A_314, %get3A_341 : vector<16xf32>
        %add3A_343 = arith.constant 4 : i32
        %add3A_344 = arith.addi %mul3A_231, %add3A_343 : i32
        %get3A_345 = arith.index_cast %add3A_344 : i32 to index
        %get3A_346 = arith.constant 0 : index
        %get3A_347 = tpu.vector_load %arg6[%get3A_345, %get3A_346] {strides = array<i32>} : memref<200x64xf32, #tpu.memory_space<vmem>>, vector<1x16xf32>,
        %get3A_348 = vector.shape_cast %get3A_347 : vector<1x16xf32> to vector<16xf32>
        %add3A_349 = arith.addf %add3A_321, %get3A_348 : vector<16xf32>
        %add3A_350 = arith.constant 4 : i32
        %add3A_351 = arith.addi %mul3A_231, %add3A_350 : i32
        %get3A_352 = arith.index_cast %add3A_351 : i32 to index
        %get3A_353 = arith.constant 16 : index
        %get3A_354 = tpu.vector_load %arg6[%get3A_352, %get3A_353] {strides = array<i32>} : memref<200x64xf32, #tpu.memory_space<vmem>>, vector<1x16xf32>,
        %get3A_355 = vector.shape_cast %get3A_354 : vector<1x16xf32> to vector<16xf32>
        %add3A_356 = arith.addf %add3A_328, %get3A_355 : vector<16xf32>
        %add3A_357 = arith.constant 4 : i32
        %add3A_358 = arith.addi %mul3A_231, %add3A_357 : i32
        %get3A_359 = arith.index_cast %add3A_358 : i32 to index
        %get3A_360 = arith.constant 32 : index
        %get3A_361 = tpu.vector_load %arg6[%get3A_359, %get3A_360] {strides = array<i32>} : memref<200x64xf32, #tpu.memory_space<vmem>>, vector<1x16xf32>,
        %get3A_362 = vector.shape_cast %get3A_361 : vector<1x16xf32> to vector<16xf32>
        %add3A_363 = arith.addf %add3A_335, %get3A_362 : vector<16xf32>
        %add3A_364 = arith.constant 4 : i32
        %add3A_365 = arith.addi %mul3A_231, %add3A_364 : i32
        %get3A_366 = arith.index_cast %add3A_365 : i32 to index
        %get3A_367 = arith.constant 48 : index
        %get3A_368 = tpu.vector_load %arg6[%get3A_366, %get3A_367] {strides = array<i32>} : memref<200x64xf32, #tpu.memory_space<vmem>>, vector<1x16xf32>,
        %get3A_369 = vector.shape_cast %get3A_368 : vector<1x16xf32> to vector<16xf32>
        %add3A_370 = arith.addf %add3A_342, %get3A_369 : vector<16xf32>
        %add3A_371 = arith.constant 5 : i32
        %add3A_372 = arith.addi %mul3A_231, %add3A_371 : i32
        %get3A_373 = arith.index_cast %add3A_372 : i32 to index
        %get3A_374 = arith.constant 0 : index
        %get3A_375 = tpu.vector_load %arg6[%get3A_373, %get3A_374] {strides = array<i32>} : memref<200x64xf32, #tpu.memory_space<vmem>>, vector<1x16xf32>,
        %get3A_376 = vector.shape_cast %get3A_375 : vector<1x16xf32> to vector<16xf32>
        %add3A_377 = arith.addf %add3A_349, %get3A_376 : vector<16xf32>
        %add3A_378 = arith.constant 5 : i32
        %add3A_379 = arith.addi %mul3A_231, %add3A_378 : i32
        %get3A_380 = arith.index_cast %add3A_379 : i32 to index
        %get3A_381 = arith.constant 16 : index
        %get3A_382 = tpu.vector_load %arg6[%get3A_380, %get3A_381] {strides = array<i32>} : memref<200x64xf32, #tpu.memory_space<vmem>>, vector<1x16xf32>,
        %get3A_383 = vector.shape_cast %get3A_382 : vector<1x16xf32> to vector<16xf32>
        %add3A_384 = arith.addf %add3A_356, %get3A_383 : vector<16xf32>
        %add3A_385 = arith.constant 5 : i32
        %add3A_386 = arith.addi %mul3A_231, %add3A_385 : i32
        %get3A_387 = arith.index_cast %add3A_386 : i32 to index
        %get3A_388 = arith.constant 32 : index
        %get3A_389 = tpu.vector_load %arg6[%get3A_387, %get3A_388] {strides = array<i32>} : memref<200x64xf32, #tpu.memory_space<vmem>>, vector<1x16xf32>,
        %get3A_390 = vector.shape_cast %get3A_389 : vector<1x16xf32> to vector<16xf32>
        %add3A_391 = arith.addf %add3A_363, %get3A_390 : vector<16xf32>
        %add3A_392 = arith.constant 5 : i32
        %add3A_393 = arith.addi %mul3A_231, %add3A_392 : i32
        %get3A_394 = arith.index_cast %add3A_393 : i32 to index
        %get3A_395 = arith.constant 48 : index
        %get3A_396 = tpu.vector_load %arg6[%get3A_394, %get3A_395] {strides = array<i32>} : memref<200x64xf32, #tpu.memory_space<vmem>>, vector<1x16xf32>,
        %get3A_397 = vector.shape_cast %get3A_396 : vector<1x16xf32> to vector<16xf32>
        %add3A_398 = arith.addf %add3A_370, %get3A_397 : vector<16xf32>
        %add3A_399 = arith.constant 6 : i32
        %add3A_400 = arith.addi %mul3A_231, %add3A_399 : i32
        %get3A_401 = arith.index_cast %add3A_400 : i32 to index
        %get3A_402 = arith.constant 0 : index
        %get3A_403 = tpu.vector_load %arg6[%get3A_401, %get3A_402] {strides = array<i32>} : memref<200x64xf32, #tpu.memory_space<vmem>>, vector<1x16xf32>,
        %get3A_404 = vector.shape_cast %get3A_403 : vector<1x16xf32> to vector<16xf32>
        %add3A_405 = arith.addf %add3A_377, %get3A_404 : vector<16xf32>
        %add3A_406 = arith.constant 6 : i32
        %add3A_407 = arith.addi %mul3A_231, %add3A_406 : i32
        %get3A_408 = arith.index_cast %add3A_407 : i32 to index
        %get3A_409 = arith.constant 16 : index
        %get3A_410 = tpu.vector_load %arg6[%get3A_408, %get3A_409] {strides = array<i32>} : memref<200x64xf32, #tpu.memory_space<vmem>>, vector<1x16xf32>,
        %get3A_411 = vector.shape_cast %get3A_410 : vector<1x16xf32> to vector<16xf32>
        %add3A_412 = arith.addf %add3A_384, %get3A_411 : vector<16xf32>
        %add3A_413 = arith.constant 6 : i32
        %add3A_414 = arith.addi %mul3A_231, %add3A_413 : i32
        %get3A_415 = arith.index_cast %add3A_414 : i32 to index
        %get3A_416 = arith.constant 32 : index
        %get3A_417 = tpu.vector_load %arg6[%get3A_415, %get3A_416] {strides = array<i32>} : memref<200x64xf32, #tpu.memory_space<vmem>>, vector<1x16xf32>,
        %get3A_418 = vector.shape_cast %get3A_417 : vector<1x16xf32> to vector<16xf32>
        %add3A_419 = arith.addf %add3A_391, %get3A_418 : vector<16xf32>
        %add3A_420 = arith.constant 6 : i32
        %add3A_421 = arith.addi %mul3A_231, %add3A_420 : i32
        %get3A_422 = arith.index_cast %add3A_421 : i32 to index
        %get3A_423 = arith.constant 48 : index
        %get3A_424 = tpu.vector_load %arg6[%get3A_422, %get3A_423] {strides = array<i32>} : memref<200x64xf32, #tpu.memory_space<vmem>>, vector<1x16xf32>,
        %get3A_425 = vector.shape_cast %get3A_424 : vector<1x16xf32> to vector<16xf32>
        %add3A_426 = arith.addf %add3A_398, %get3A_425 : vector<16xf32>
        %add3A_427 = arith.constant 7 : i32
        %add3A_428 = arith.addi %mul3A_231, %add3A_427 : i32
        %get3A_429 = arith.index_cast %add3A_428 : i32 to index
        %get3A_430 = arith.constant 0 : index
        %get3A_431 = tpu.vector_load %arg6[%get3A_429, %get3A_430] {strides = array<i32>} : memref<200x64xf32, #tpu.memory_space<vmem>>, vector<1x16xf32>,
        %get3A_432 = vector.shape_cast %get3A_431 : vector<1x16xf32> to vector<16xf32>
        %add3A_433 = arith.addf %add3A_405, %get3A_432 : vector<16xf32>
        %add3A_434 = arith.constant 7 : i32
        %add3A_435 = arith.addi %mul3A_231, %add3A_434 : i32
        %get3A_436 = arith.index_cast %add3A_435 : i32 to index
        %get3A_437 = arith.constant 16 : index
        %get3A_438 = tpu.vector_load %arg6[%get3A_436, %get3A_437] {strides = array<i32>} : memref<200x64xf32, #tpu.memory_space<vmem>>, vector<1x16xf32>,
        %get3A_439 = vector.shape_cast %get3A_438 : vector<1x16xf32> to vector<16xf32>
        %add3A_440 = arith.addf %add3A_412, %get3A_439 : vector<16xf32>
        %add3A_441 = arith.constant 7 : i32
        %add3A_442 = arith.addi %mul3A_231, %add3A_441 : i32
        %get3A_443 = arith.index_cast %add3A_442 : i32 to index
        %get3A_444 = arith.constant 32 : index
        %get3A_445 = tpu.vector_load %arg6[%get3A_443, %get3A_444] {strides = array<i32>} : memref<200x64xf32, #tpu.memory_space<vmem>>, vector<1x16xf32>,
        %get3A_446 = vector.shape_cast %get3A_445 : vector<1x16xf32> to vector<16xf32>
        %add3A_447 = arith.addf %add3A_419, %get3A_446 : vector<16xf32>
        %add3A_448 = arith.constant 7 : i32
        %add3A_449 = arith.addi %mul3A_231, %add3A_448 : i32
        %get3A_450 = arith.index_cast %add3A_449 : i32 to index
        %get3A_451 = arith.constant 48 : index
        %get3A_452 = tpu.vector_load %arg6[%get3A_450, %get3A_451] {strides = array<i32>} : memref<200x64xf32, #tpu.memory_space<vmem>>, vector<1x16xf32>,
        %get3A_453 = vector.shape_cast %get3A_452 : vector<1x16xf32> to vector<16xf32>
        %add3A_454 = arith.addf %add3A_426, %get3A_453 : vector<16xf32>
        scf.yield %add3A_433, %add3A_440, %add3A_447, %add3A_454 : vector<16xf32>, vector<16xf32>, vector<16xf32>, vector<16xf32>
      }
      %scan3A_57 = arith.constant 25 : i32
      %mul3A_58 = arith.constant 5.000000e-03 : f32
      %mul3A_59 = vector.broadcast %mul3A_58 : f32 to vector<16xf32>
      %mul3A_60 = arith.mulf %scan3A_56#0, %mul3A_59 : vector<16xf32>
      %neg3A = arith.constant 0.000000e+00 : f32
      %neg3A_61 = vector.broadcast %neg3A : f32 to vector<16xf32>
      %neg3A_62 = arith.subf %neg3A_61, %mul3A_60 : vector<16xf32>
      %exp3A = math.exp %neg3A_62 : vector<16xf32>
      %add3A_63 = arith.constant 1.000000e+00 : f32
      %add3A_64 = vector.broadcast %add3A_63 : f32 to vector<16xf32>
      %add3A_65 = arith.addf %add3A_64, %exp3A : vector<16xf32>
      %div3A = arith.constant 1.000000e+00 : f32
      %div3A_66 = vector.broadcast %div3A : f32 to vector<16xf32>
      %div3A_67 = arith.divf %div3A_66, %add3A_65 : vector<16xf32>
      %swap3A = arith.index_cast %mul3A_45 : i32 to index
      %swap3A_68 = arith.constant 0 : index
      %swap3A_69 = tpu.vector_load %arg8[%swap3A, %swap3A_68] {strides = array<i32>} : memref<128x64xf32, #tpu.memory_space<vmem>>, vector<1x16xf32>,
      %swap3A_70 = vector.shape_cast %swap3A_69 : vector<1x16xf32> to vector<16xf32>
      %swap3A_71 = vector.shape_cast %div3A_67 : vector<16xf32> to vector<1x16xf32>
      tpu.vector_store %arg8[%swap3A, %swap3A_68], %swap3A_71 {strides = array<i32>} : memref<128x64xf32, #tpu.memory_space<vmem>>, vector<1x16xf32>,
      %mul3A_72 = arith.constant 5.000000e-03 : f32
      %mul3A_73 = vector.broadcast %mul3A_72 : f32 to vector<16xf32>
      %mul3A_74 = arith.mulf %scan3A_56#1, %mul3A_73 : vector<16xf32>
      %neg3A_75 = arith.constant 0.000000e+00 : f32
      %neg3A_76 = vector.broadcast %neg3A_75 : f32 to vector<16xf32>
      %neg3A_77 = arith.subf %neg3A_76, %mul3A_74 : vector<16xf32>
      %exp3A_78 = math.exp %neg3A_77 : vector<16xf32>
      %add3A_79 = arith.constant 1.000000e+00 : f32
      %add3A_80 = vector.broadcast %add3A_79 : f32 to vector<16xf32>
      %add3A_81 = arith.addf %add3A_80, %exp3A_78 : vector<16xf32>
      %div3A_82 = arith.constant 1.000000e+00 : f32
      %div3A_83 = vector.broadcast %div3A_82 : f32 to vector<16xf32>
      %div3A_84 = arith.divf %div3A_83, %add3A_81 : vector<16xf32>
      %swap3A_85 = arith.index_cast %mul3A_45 : i32 to index
      %swap3A_86 = arith.constant 16 : index
      %swap3A_87 = tpu.vector_load %arg8[%swap3A_85, %swap3A_86] {strides = array<i32>} : memref<128x64xf32, #tpu.memory_space<vmem>>, vector<1x16xf32>,
      %swap3A_88 = vector.shape_cast %swap3A_87 : vector<1x16xf32> to vector<16xf32>
      %swap3A_89 = vector.shape_cast %div3A_84 : vector<16xf32> to vector<1x16xf32>
      tpu.vector_store %arg8[%swap3A_85, %swap3A_86], %swap3A_89 {strides = array<i32>} : memref<128x64xf32, #tpu.memory_space<vmem>>, vector<1x16xf32>,
      %mul3A_90 = arith.constant 5.000000e-03 : f32
      %mul3A_91 = vector.broadcast %mul3A_90 : f32 to vector<16xf32>
      %mul3A_92 = arith.mulf %scan3A_56#2, %mul3A_91 : vector<16xf32>
      %neg3A_93 = arith.constant 0.000000e+00 : f32
      %neg3A_94 = vector.broadcast %neg3A_93 : f32 to vector<16xf32>
      %neg3A_95 = arith.subf %neg3A_94, %mul3A_92 : vector<16xf32>
      %exp3A_96 = math.exp %neg3A_95 : vector<16xf32>
      %add3A_97 = arith.constant 1.000000e+00 : f32
      %add3A_98 = vector.broadcast %add3A_97 : f32 to vector<16xf32>
      %add3A_99 = arith.addf %add3A_98, %exp3A_96 : vector<16xf32>
      %div3A_100 = arith.constant 1.000000e+00 : f32
      %div3A_101 = vector.broadcast %div3A_100 : f32 to vector<16xf32>
      %div3A_102 = arith.divf %div3A_101, %add3A_99 : vector<16xf32>
      %swap3A_103 = arith.index_cast %mul3A_45 : i32 to index
      %swap3A_104 = arith.constant 32 : index
      %swap3A_105 = tpu.vector_load %arg8[%swap3A_103, %swap3A_104] {strides = array<i32>} : memref<128x64xf32, #tpu.memory_space<vmem>>, vector<1x16xf32>,
      %swap3A_106 = vector.shape_cast %swap3A_105 : vector<1x16xf32> to vector<16xf32>
      %swap3A_107 = vector.shape_cast %div3A_102 : vector<16xf32> to vector<1x16xf32>
      tpu.vector_store %arg8[%swap3A_103, %swap3A_104], %swap3A_107 {strides = array<i32>} : memref<128x64xf32, #tpu.memory_space<vmem>>, vector<1x16xf32>,
      %mul3A_108 = arith.constant 5.000000e-03 : f32
      %mul3A_109 = vector.broadcast %mul3A_108 : f32 to vector<16xf32>
      %mul3A_110 = arith.mulf %scan3A_56#3, %mul3A_109 : vector<16xf32>
      %neg3A_111 = arith.constant 0.000000e+00 : f32
      %neg3A_112 = vector.broadcast %neg3A_111 : f32 to vector<16xf32>
      %neg3A_113 = arith.subf %neg3A_112, %mul3A_110 : vector<16xf32>
      %exp3A_114 = math.exp %neg3A_113 : vector<16xf32>
      %add3A_115 = arith.constant 1.000000e+00 : f32
      %add3A_116 = vector.broadcast %add3A_115 : f32 to vector<16xf32>
      %add3A_117 = arith.addf %add3A_116, %exp3A_114 : vector<16xf32>
      %div3A_118 = arith.constant 1.000000e+00 : f32
      %div3A_119 = vector.broadcast %div3A_118 : f32 to vector<16xf32>
      %div3A_120 = arith.divf %div3A_119, %add3A_117 : vector<16xf32>
      %swap3A_121 = arith.index_cast %mul3A_45 : i32 to index
      %swap3A_122 = arith.constant 48 : index
      %swap3A_123 = tpu.vector_load %arg8[%swap3A_121, %swap3A_122] {strides = array<i32>} : memref<128x64xf32, #tpu.memory_space<vmem>>, vector<1x16xf32>,
      %swap3A_124 = vector.shape_cast %swap3A_123 : vector<1x16xf32> to vector<16xf32>
      %swap3A_125 = vector.shape_cast %div3A_120 : vector<16xf32> to vector<1x16xf32>
      tpu.vector_store %arg8[%swap3A_121, %swap3A_122], %swap3A_125 {strides = array<i32>} : memref<128x64xf32, #tpu.memory_space<vmem>>, vector<1x16xf32>,
      %add3A_126 = arith.constant 2 : i32
      %add3A_127 = arith.addi %mul3A_45, %add3A_126 : i32
      %lt3A = arith.constant 128 : i32
      %lt3A_128 = arith.cmpi slt, %add3A_127, %lt3A : i32
      %convert_element_type3A = arith.extui %lt3A_128 : i1 to i32
      %cond3A = arith.constant 0 : i32
      %cond3A_129 = arith.cmpi ne, %convert_element_type3A, %cond3A : i32
      scf.if %cond3A_129 {
        %add3A_225 = arith.constant 2 : i32
        %add3A_226 = arith.addi %mul3A_45, %add3A_225 : i32
        %mul3A_227 = arith.constant 200 : i32
        %mul3A_228 = arith.muli %add3A_226, %mul3A_227 : i32
        %dma_start3A_229 = arith.constant 0 : i32
        %dma_start3A_230 = arith.constant 0 : i32
        %dma_start3A_231 = tpu.memref_slice %arg6[%dma_start3A_229, %dma_start3A_230] : memref<200x64xf32, #tpu.memory_space<vmem>> -> memref<128x64xf32, #tpu.memory_space<vmem>>
        %dma_start3A_232 = tpu.memref_slice %arg5[%mul3A_228] : memref<25600xi32, #tpu.memory_space<vmem>> -> memref<128xi32, #tpu.memory_space<vmem>>
        %dma_start3A_233 = arith.constant 0 : i32
        %dma_start3A_234 = arith.constant 0 : i32
        %dma_start3A_235 = tpu.memref_slice %arg2[%dma_start3A_233, %dma_start3A_234] : memref<1000000x64xf32, #tpu.memory_space<hbm>> -> memref<1000000x64xf32, #tpu.memory_space<hbm>>
        tpu.enqueue_indirect_dma source(%dma_start3A_235 : memref<1000000x64xf32, #tpu.memory_space<hbm>>) target(%dma_start3A_231 : memref<128x64xf32, #tpu.memory_space<vmem>>) offsets(%dma_start3A_232 : memref<128xi32, #tpu.memory_space<vmem>>) semaphore(%arg9 : memref<!tpu.dma_semaphore, #tpu.memory_space<semaphore_mem>>)
        %add3A_236 = arith.constant 128 : i32
        %add3A_237 = arith.addi %mul3A_228, %add3A_236 : i32
        %dma_start3A_238 = arith.constant 128 : i32
        %dma_start3A_239 = arith.constant 0 : i32
        %dma_start3A_240 = tpu.memref_slice %arg6[%dma_start3A_238, %dma_start3A_239] : memref<200x64xf32, #tpu.memory_space<vmem>> -> memref<72x64xf32, #tpu.memory_space<vmem>>
        %dma_start3A_241 = tpu.memref_slice %arg5[%add3A_237] : memref<25600xi32, #tpu.memory_space<vmem>> -> memref<72xi32, #tpu.memory_space<vmem>>
        %dma_start3A_242 = arith.constant 0 : i32
        %dma_start3A_243 = arith.constant 0 : i32
        %dma_start3A_244 = tpu.memref_slice %arg2[%dma_start3A_242, %dma_start3A_243] : memref<1000000x64xf32, #tpu.memory_space<hbm>> -> memref<1000000x64xf32, #tpu.memory_space<hbm>>
        tpu.enqueue_indirect_dma source(%dma_start3A_244 : memref<1000000x64xf32, #tpu.memory_space<hbm>>) target(%dma_start3A_240 : memref<72x64xf32, #tpu.memory_space<vmem>>) offsets(%dma_start3A_241 : memref<72xi32, #tpu.memory_space<vmem>>) semaphore(%arg9 : memref<!tpu.dma_semaphore, #tpu.memory_space<semaphore_mem>>)
      } else {
      }
      %dma_wait3A_130 = arith.constant 0 : i32
      %dma_wait3A_131 = arith.constant 0 : i32
      %dma_wait3A_132 = tpu.memref_slice %arg2[%dma_wait3A_130, %dma_wait3A_131] : memref<1000000x64xf32, #tpu.memory_space<hbm>> -> memref<200x64xf32, #tpu.memory_space<hbm>>
      %dma_wait3A_133 = arith.constant 0 : i32
      %dma_wait3A_134 = arith.constant 0 : i32
      %dma_wait3A_135 = tpu.memref_slice %arg2[%dma_wait3A_133, %dma_wait3A_134] : memref<1000000x64xf32, #tpu.memory_space<hbm>> -> memref<200x64xf32, #tpu.memory_space<hbm>>
      tpu.wait_dma2 semaphore(%arg10 : memref<!tpu.dma_semaphore, #tpu.memory_space<semaphore_mem>>) src(%dma_wait3A_135 : memref<200x64xf32, #tpu.memory_space<hbm>>) dst(%arg7 : memref<200x64xf32, #tpu.memory_space<vmem>>)
      %add3A_136 = arith.constant 1 : i32
      %add3A_137 = arith.addi %mul3A_45, %add3A_136 : i32
      %broadcast_in_dim3A_138 = arith.constant 0.000000e+00 : f32
      %broadcast_in_dim3A_139 = vector.broadcast %broadcast_in_dim3A_138 : f32 to vector<16xf32>
      %scan3A_140 = arith.constant 0 : i32
      %scan3A_141 = arith.constant 25 : i32
      %scan3A_142 = arith.addi %scan3A_140, %scan3A_141 : i32
      %scan3A_143 = arith.constant 1 : i32
      %scan3A_144:4 = scf.for %scan3A_225 = %scan3A_140 to %scan3A_142 step %scan3A_143 iter_args(%scan3A_226 = %broadcast_in_dim3A_139, %scan3A_227 = %broadcast_in_dim3A_139, %scan3A_228 = %broadcast_in_dim3A_139, %scan3A_229 = %broadcast_in_dim3A_139) -> (vector<16xf32>, vector<16xf32>, vector<16xf32>, vector<16xf32>)  : i32 {
        %mul3A_230 = arith.constant 8 : i32
        %mul3A_231 = arith.muli %scan3A_225, %mul3A_230 : i32
        %add3A_232 = arith.constant 0 : i32
        %add3A_233 = arith.addi %mul3A_231, %add3A_232 : i32
        %get3A = arith.index_cast %add3A_233 : i32 to index
        %get3A_234 = arith.constant 0 : index
        %get3A_235 = tpu.vector_load %arg7[%get3A, %get3A_234] {strides = array<i32>} : memref<200x64xf32, #tpu.memory_space<vmem>>, vector<1x16xf32>,
        %get3A_236 = vector.shape_cast %get3A_235 : vector<1x16xf32> to vector<16xf32>
        %add3A_237 = arith.addf %scan3A_226, %get3A_236 : vector<16xf32>
        %add3A_238 = arith.constant 0 : i32
        %add3A_239 = arith.addi %mul3A_231, %add3A_238 : i32
        %get3A_240 = arith.index_cast %add3A_239 : i32 to index
        %get3A_241 = arith.constant 16 : index
        %get3A_242 = tpu.vector_load %arg7[%get3A_240, %get3A_241] {strides = array<i32>} : memref<200x64xf32, #tpu.memory_space<vmem>>, vector<1x16xf32>,
        %get3A_243 = vector.shape_cast %get3A_242 : vector<1x16xf32> to vector<16xf32>
        %add3A_244 = arith.addf %scan3A_227, %get3A_243 : vector<16xf32>
        %add3A_245 = arith.constant 0 : i32
        %add3A_246 = arith.addi %mul3A_231, %add3A_245 : i32
        %get3A_247 = arith.index_cast %add3A_246 : i32 to index
        %get3A_248 = arith.constant 32 : index
        %get3A_249 = tpu.vector_load %arg7[%get3A_247, %get3A_248] {strides = array<i32>} : memref<200x64xf32, #tpu.memory_space<vmem>>, vector<1x16xf32>,
        %get3A_250 = vector.shape_cast %get3A_249 : vector<1x16xf32> to vector<16xf32>
        %add3A_251 = arith.addf %scan3A_228, %get3A_250 : vector<16xf32>
        %add3A_252 = arith.constant 0 : i32
        %add3A_253 = arith.addi %mul3A_231, %add3A_252 : i32
        %get3A_254 = arith.index_cast %add3A_253 : i32 to index
        %get3A_255 = arith.constant 48 : index
        %get3A_256 = tpu.vector_load %arg7[%get3A_254, %get3A_255] {strides = array<i32>} : memref<200x64xf32, #tpu.memory_space<vmem>>, vector<1x16xf32>,
        %get3A_257 = vector.shape_cast %get3A_256 : vector<1x16xf32> to vector<16xf32>
        %add3A_258 = arith.addf %scan3A_229, %get3A_257 : vector<16xf32>
        %add3A_259 = arith.constant 1 : i32
        %add3A_260 = arith.addi %mul3A_231, %add3A_259 : i32
        %get3A_261 = arith.index_cast %add3A_260 : i32 to index
        %get3A_262 = arith.constant 0 : index
        %get3A_263 = tpu.vector_load %arg7[%get3A_261, %get3A_262] {strides = array<i32>} : memref<200x64xf32, #tpu.memory_space<vmem>>, vector<1x16xf32>,
        %get3A_264 = vector.shape_cast %get3A_263 : vector<1x16xf32> to vector<16xf32>
        %add3A_265 = arith.addf %add3A_237, %get3A_264 : vector<16xf32>
        %add3A_266 = arith.constant 1 : i32
        %add3A_267 = arith.addi %mul3A_231, %add3A_266 : i32
        %get3A_268 = arith.index_cast %add3A_267 : i32 to index
        %get3A_269 = arith.constant 16 : index
        %get3A_270 = tpu.vector_load %arg7[%get3A_268, %get3A_269] {strides = array<i32>} : memref<200x64xf32, #tpu.memory_space<vmem>>, vector<1x16xf32>,
        %get3A_271 = vector.shape_cast %get3A_270 : vector<1x16xf32> to vector<16xf32>
        %add3A_272 = arith.addf %add3A_244, %get3A_271 : vector<16xf32>
        %add3A_273 = arith.constant 1 : i32
        %add3A_274 = arith.addi %mul3A_231, %add3A_273 : i32
        %get3A_275 = arith.index_cast %add3A_274 : i32 to index
        %get3A_276 = arith.constant 32 : index
        %get3A_277 = tpu.vector_load %arg7[%get3A_275, %get3A_276] {strides = array<i32>} : memref<200x64xf32, #tpu.memory_space<vmem>>, vector<1x16xf32>,
        %get3A_278 = vector.shape_cast %get3A_277 : vector<1x16xf32> to vector<16xf32>
        %add3A_279 = arith.addf %add3A_251, %get3A_278 : vector<16xf32>
        %add3A_280 = arith.constant 1 : i32
        %add3A_281 = arith.addi %mul3A_231, %add3A_280 : i32
        %get3A_282 = arith.index_cast %add3A_281 : i32 to index
        %get3A_283 = arith.constant 48 : index
        %get3A_284 = tpu.vector_load %arg7[%get3A_282, %get3A_283] {strides = array<i32>} : memref<200x64xf32, #tpu.memory_space<vmem>>, vector<1x16xf32>,
        %get3A_285 = vector.shape_cast %get3A_284 : vector<1x16xf32> to vector<16xf32>
        %add3A_286 = arith.addf %add3A_258, %get3A_285 : vector<16xf32>
        %add3A_287 = arith.constant 2 : i32
        %add3A_288 = arith.addi %mul3A_231, %add3A_287 : i32
        %get3A_289 = arith.index_cast %add3A_288 : i32 to index
        %get3A_290 = arith.constant 0 : index
        %get3A_291 = tpu.vector_load %arg7[%get3A_289, %get3A_290] {strides = array<i32>} : memref<200x64xf32, #tpu.memory_space<vmem>>, vector<1x16xf32>,
        %get3A_292 = vector.shape_cast %get3A_291 : vector<1x16xf32> to vector<16xf32>
        %add3A_293 = arith.addf %add3A_265, %get3A_292 : vector<16xf32>
        %add3A_294 = arith.constant 2 : i32
        %add3A_295 = arith.addi %mul3A_231, %add3A_294 : i32
        %get3A_296 = arith.index_cast %add3A_295 : i32 to index
        %get3A_297 = arith.constant 16 : index
        %get3A_298 = tpu.vector_load %arg7[%get3A_296, %get3A_297] {strides = array<i32>} : memref<200x64xf32, #tpu.memory_space<vmem>>, vector<1x16xf32>,
        %get3A_299 = vector.shape_cast %get3A_298 : vector<1x16xf32> to vector<16xf32>
        %add3A_300 = arith.addf %add3A_272, %get3A_299 : vector<16xf32>
        %add3A_301 = arith.constant 2 : i32
        %add3A_302 = arith.addi %mul3A_231, %add3A_301 : i32
        %get3A_303 = arith.index_cast %add3A_302 : i32 to index
        %get3A_304 = arith.constant 32 : index
        %get3A_305 = tpu.vector_load %arg7[%get3A_303, %get3A_304] {strides = array<i32>} : memref<200x64xf32, #tpu.memory_space<vmem>>, vector<1x16xf32>,
        %get3A_306 = vector.shape_cast %get3A_305 : vector<1x16xf32> to vector<16xf32>
        %add3A_307 = arith.addf %add3A_279, %get3A_306 : vector<16xf32>
        %add3A_308 = arith.constant 2 : i32
        %add3A_309 = arith.addi %mul3A_231, %add3A_308 : i32
        %get3A_310 = arith.index_cast %add3A_309 : i32 to index
        %get3A_311 = arith.constant 48 : index
        %get3A_312 = tpu.vector_load %arg7[%get3A_310, %get3A_311] {strides = array<i32>} : memref<200x64xf32, #tpu.memory_space<vmem>>, vector<1x16xf32>,
        %get3A_313 = vector.shape_cast %get3A_312 : vector<1x16xf32> to vector<16xf32>
        %add3A_314 = arith.addf %add3A_286, %get3A_313 : vector<16xf32>
        %add3A_315 = arith.constant 3 : i32
        %add3A_316 = arith.addi %mul3A_231, %add3A_315 : i32
        %get3A_317 = arith.index_cast %add3A_316 : i32 to index
        %get3A_318 = arith.constant 0 : index
        %get3A_319 = tpu.vector_load %arg7[%get3A_317, %get3A_318] {strides = array<i32>} : memref<200x64xf32, #tpu.memory_space<vmem>>, vector<1x16xf32>,
        %get3A_320 = vector.shape_cast %get3A_319 : vector<1x16xf32> to vector<16xf32>
        %add3A_321 = arith.addf %add3A_293, %get3A_320 : vector<16xf32>
        %add3A_322 = arith.constant 3 : i32
        %add3A_323 = arith.addi %mul3A_231, %add3A_322 : i32
        %get3A_324 = arith.index_cast %add3A_323 : i32 to index
        %get3A_325 = arith.constant 16 : index
        %get3A_326 = tpu.vector_load %arg7[%get3A_324, %get3A_325] {strides = array<i32>} : memref<200x64xf32, #tpu.memory_space<vmem>>, vector<1x16xf32>,
        %get3A_327 = vector.shape_cast %get3A_326 : vector<1x16xf32> to vector<16xf32>
        %add3A_328 = arith.addf %add3A_300, %get3A_327 : vector<16xf32>
        %add3A_329 = arith.constant 3 : i32
        %add3A_330 = arith.addi %mul3A_231, %add3A_329 : i32
        %get3A_331 = arith.index_cast %add3A_330 : i32 to index
        %get3A_332 = arith.constant 32 : index
        %get3A_333 = tpu.vector_load %arg7[%get3A_331, %get3A_332] {strides = array<i32>} : memref<200x64xf32, #tpu.memory_space<vmem>>, vector<1x16xf32>,
        %get3A_334 = vector.shape_cast %get3A_333 : vector<1x16xf32> to vector<16xf32>
        %add3A_335 = arith.addf %add3A_307, %get3A_334 : vector<16xf32>
        %add3A_336 = arith.constant 3 : i32
        %add3A_337 = arith.addi %mul3A_231, %add3A_336 : i32
        %get3A_338 = arith.index_cast %add3A_337 : i32 to index
        %get3A_339 = arith.constant 48 : index
        %get3A_340 = tpu.vector_load %arg7[%get3A_338, %get3A_339] {strides = array<i32>} : memref<200x64xf32, #tpu.memory_space<vmem>>, vector<1x16xf32>,
        %get3A_341 = vector.shape_cast %get3A_340 : vector<1x16xf32> to vector<16xf32>
        %add3A_342 = arith.addf %add3A_314, %get3A_341 : vector<16xf32>
        %add3A_343 = arith.constant 4 : i32
        %add3A_344 = arith.addi %mul3A_231, %add3A_343 : i32
        %get3A_345 = arith.index_cast %add3A_344 : i32 to index
        %get3A_346 = arith.constant 0 : index
        %get3A_347 = tpu.vector_load %arg7[%get3A_345, %get3A_346] {strides = array<i32>} : memref<200x64xf32, #tpu.memory_space<vmem>>, vector<1x16xf32>,
        %get3A_348 = vector.shape_cast %get3A_347 : vector<1x16xf32> to vector<16xf32>
        %add3A_349 = arith.addf %add3A_321, %get3A_348 : vector<16xf32>
        %add3A_350 = arith.constant 4 : i32
        %add3A_351 = arith.addi %mul3A_231, %add3A_350 : i32
        %get3A_352 = arith.index_cast %add3A_351 : i32 to index
        %get3A_353 = arith.constant 16 : index
        %get3A_354 = tpu.vector_load %arg7[%get3A_352, %get3A_353] {strides = array<i32>} : memref<200x64xf32, #tpu.memory_space<vmem>>, vector<1x16xf32>,
        %get3A_355 = vector.shape_cast %get3A_354 : vector<1x16xf32> to vector<16xf32>
        %add3A_356 = arith.addf %add3A_328, %get3A_355 : vector<16xf32>
        %add3A_357 = arith.constant 4 : i32
        %add3A_358 = arith.addi %mul3A_231, %add3A_357 : i32
        %get3A_359 = arith.index_cast %add3A_358 : i32 to index
        %get3A_360 = arith.constant 32 : index
        %get3A_361 = tpu.vector_load %arg7[%get3A_359, %get3A_360] {strides = array<i32>} : memref<200x64xf32, #tpu.memory_space<vmem>>, vector<1x16xf32>,
        %get3A_362 = vector.shape_cast %get3A_361 : vector<1x16xf32> to vector<16xf32>
        %add3A_363 = arith.addf %add3A_335, %get3A_362 : vector<16xf32>
        %add3A_364 = arith.constant 4 : i32
        %add3A_365 = arith.addi %mul3A_231, %add3A_364 : i32
        %get3A_366 = arith.index_cast %add3A_365 : i32 to index
        %get3A_367 = arith.constant 48 : index
        %get3A_368 = tpu.vector_load %arg7[%get3A_366, %get3A_367] {strides = array<i32>} : memref<200x64xf32, #tpu.memory_space<vmem>>, vector<1x16xf32>,
        %get3A_369 = vector.shape_cast %get3A_368 : vector<1x16xf32> to vector<16xf32>
        %add3A_370 = arith.addf %add3A_342, %get3A_369 : vector<16xf32>
        %add3A_371 = arith.constant 5 : i32
        %add3A_372 = arith.addi %mul3A_231, %add3A_371 : i32
        %get3A_373 = arith.index_cast %add3A_372 : i32 to index
        %get3A_374 = arith.constant 0 : index
        %get3A_375 = tpu.vector_load %arg7[%get3A_373, %get3A_374] {strides = array<i32>} : memref<200x64xf32, #tpu.memory_space<vmem>>, vector<1x16xf32>,
        %get3A_376 = vector.shape_cast %get3A_375 : vector<1x16xf32> to vector<16xf32>
        %add3A_377 = arith.addf %add3A_349, %get3A_376 : vector<16xf32>
        %add3A_378 = arith.constant 5 : i32
        %add3A_379 = arith.addi %mul3A_231, %add3A_378 : i32
        %get3A_380 = arith.index_cast %add3A_379 : i32 to index
        %get3A_381 = arith.constant 16 : index
        %get3A_382 = tpu.vector_load %arg7[%get3A_380, %get3A_381] {strides = array<i32>} : memref<200x64xf32, #tpu.memory_space<vmem>>, vector<1x16xf32>,
        %get3A_383 = vector.shape_cast %get3A_382 : vector<1x16xf32> to vector<16xf32>
        %add3A_384 = arith.addf %add3A_356, %get3A_383 : vector<16xf32>
        %add3A_385 = arith.constant 5 : i32
        %add3A_386 = arith.addi %mul3A_231, %add3A_385 : i32
        %get3A_387 = arith.index_cast %add3A_386 : i32 to index
        %get3A_388 = arith.constant 32 : index
        %get3A_389 = tpu.vector_load %arg7[%get3A_387, %get3A_388] {strides = array<i32>} : memref<200x64xf32, #tpu.memory_space<vmem>>, vector<1x16xf32>,
        %get3A_390 = vector.shape_cast %get3A_389 : vector<1x16xf32> to vector<16xf32>
        %add3A_391 = arith.addf %add3A_363, %get3A_390 : vector<16xf32>
        %add3A_392 = arith.constant 5 : i32
        %add3A_393 = arith.addi %mul3A_231, %add3A_392 : i32
        %get3A_394 = arith.index_cast %add3A_393 : i32 to index
        %get3A_395 = arith.constant 48 : index
        %get3A_396 = tpu.vector_load %arg7[%get3A_394, %get3A_395] {strides = array<i32>} : memref<200x64xf32, #tpu.memory_space<vmem>>, vector<1x16xf32>,
        %get3A_397 = vector.shape_cast %get3A_396 : vector<1x16xf32> to vector<16xf32>
        %add3A_398 = arith.addf %add3A_370, %get3A_397 : vector<16xf32>
        %add3A_399 = arith.constant 6 : i32
        %add3A_400 = arith.addi %mul3A_231, %add3A_399 : i32
        %get3A_401 = arith.index_cast %add3A_400 : i32 to index
        %get3A_402 = arith.constant 0 : index
        %get3A_403 = tpu.vector_load %arg7[%get3A_401, %get3A_402] {strides = array<i32>} : memref<200x64xf32, #tpu.memory_space<vmem>>, vector<1x16xf32>,
        %get3A_404 = vector.shape_cast %get3A_403 : vector<1x16xf32> to vector<16xf32>
        %add3A_405 = arith.addf %add3A_377, %get3A_404 : vector<16xf32>
        %add3A_406 = arith.constant 6 : i32
        %add3A_407 = arith.addi %mul3A_231, %add3A_406 : i32
        %get3A_408 = arith.index_cast %add3A_407 : i32 to index
        %get3A_409 = arith.constant 16 : index
        %get3A_410 = tpu.vector_load %arg7[%get3A_408, %get3A_409] {strides = array<i32>} : memref<200x64xf32, #tpu.memory_space<vmem>>, vector<1x16xf32>,
        %get3A_411 = vector.shape_cast %get3A_410 : vector<1x16xf32> to vector<16xf32>
        %add3A_412 = arith.addf %add3A_384, %get3A_411 : vector<16xf32>
        %add3A_413 = arith.constant 6 : i32
        %add3A_414 = arith.addi %mul3A_231, %add3A_413 : i32
        %get3A_415 = arith.index_cast %add3A_414 : i32 to index
        %get3A_416 = arith.constant 32 : index
        %get3A_417 = tpu.vector_load %arg7[%get3A_415, %get3A_416] {strides = array<i32>} : memref<200x64xf32, #tpu.memory_space<vmem>>, vector<1x16xf32>,
        %get3A_418 = vector.shape_cast %get3A_417 : vector<1x16xf32> to vector<16xf32>
        %add3A_419 = arith.addf %add3A_391, %get3A_418 : vector<16xf32>
        %add3A_420 = arith.constant 6 : i32
        %add3A_421 = arith.addi %mul3A_231, %add3A_420 : i32
        %get3A_422 = arith.index_cast %add3A_421 : i32 to index
        %get3A_423 = arith.constant 48 : index
        %get3A_424 = tpu.vector_load %arg7[%get3A_422, %get3A_423] {strides = array<i32>} : memref<200x64xf32, #tpu.memory_space<vmem>>, vector<1x16xf32>,
        %get3A_425 = vector.shape_cast %get3A_424 : vector<1x16xf32> to vector<16xf32>
        %add3A_426 = arith.addf %add3A_398, %get3A_425 : vector<16xf32>
        %add3A_427 = arith.constant 7 : i32
        %add3A_428 = arith.addi %mul3A_231, %add3A_427 : i32
        %get3A_429 = arith.index_cast %add3A_428 : i32 to index
        %get3A_430 = arith.constant 0 : index
        %get3A_431 = tpu.vector_load %arg7[%get3A_429, %get3A_430] {strides = array<i32>} : memref<200x64xf32, #tpu.memory_space<vmem>>, vector<1x16xf32>,
        %get3A_432 = vector.shape_cast %get3A_431 : vector<1x16xf32> to vector<16xf32>
        %add3A_433 = arith.addf %add3A_405, %get3A_432 : vector<16xf32>
        %add3A_434 = arith.constant 7 : i32
        %add3A_435 = arith.addi %mul3A_231, %add3A_434 : i32
        %get3A_436 = arith.index_cast %add3A_435 : i32 to index
        %get3A_437 = arith.constant 16 : index
        %get3A_438 = tpu.vector_load %arg7[%get3A_436, %get3A_437] {strides = array<i32>} : memref<200x64xf32, #tpu.memory_space<vmem>>, vector<1x16xf32>,
        %get3A_439 = vector.shape_cast %get3A_438 : vector<1x16xf32> to vector<16xf32>
        %add3A_440 = arith.addf %add3A_412, %get3A_439 : vector<16xf32>
        %add3A_441 = arith.constant 7 : i32
        %add3A_442 = arith.addi %mul3A_231, %add3A_441 : i32
        %get3A_443 = arith.index_cast %add3A_442 : i32 to index
        %get3A_444 = arith.constant 32 : index
        %get3A_445 = tpu.vector_load %arg7[%get3A_443, %get3A_444] {strides = array<i32>} : memref<200x64xf32, #tpu.memory_space<vmem>>, vector<1x16xf32>,
        %get3A_446 = vector.shape_cast %get3A_445 : vector<1x16xf32> to vector<16xf32>
        %add3A_447 = arith.addf %add3A_419, %get3A_446 : vector<16xf32>
        %add3A_448 = arith.constant 7 : i32
        %add3A_449 = arith.addi %mul3A_231, %add3A_448 : i32
        %get3A_450 = arith.index_cast %add3A_449 : i32 to index
        %get3A_451 = arith.constant 48 : index
        %get3A_452 = tpu.vector_load %arg7[%get3A_450, %get3A_451] {strides = array<i32>} : memref<200x64xf32, #tpu.memory_space<vmem>>, vector<1x16xf32>,
        %get3A_453 = vector.shape_cast %get3A_452 : vector<1x16xf32> to vector<16xf32>
        %add3A_454 = arith.addf %add3A_426, %get3A_453 : vector<16xf32>
        scf.yield %add3A_433, %add3A_440, %add3A_447, %add3A_454 : vector<16xf32>, vector<16xf32>, vector<16xf32>, vector<16xf32>
      }
      %scan3A_145 = arith.constant 25 : i32
      %mul3A_146 = arith.constant 5.000000e-03 : f32
      %mul3A_147 = vector.broadcast %mul3A_146 : f32 to vector<16xf32>
      %mul3A_148 = arith.mulf %scan3A_144#0, %mul3A_147 : vector<16xf32>
      %neg3A_149 = arith.constant 0.000000e+00 : f32
      %neg3A_150 = vector.broadcast %neg3A_149 : f32 to vector<16xf32>
      %neg3A_151 = arith.subf %neg3A_150, %mul3A_148 : vector<16xf32>
      %exp3A_152 = math.exp %neg3A_151 : vector<16xf32>
      %add3A_153 = arith.constant 1.000000e+00 : f32
      %add3A_154 = vector.broadcast %add3A_153 : f32 to vector<16xf32>
      %add3A_155 = arith.addf %add3A_154, %exp3A_152 : vector<16xf32>
      %div3A_156 = arith.constant 1.000000e+00 : f32
      %div3A_157 = vector.broadcast %div3A_156 : f32 to vector<16xf32>
      %div3A_158 = arith.divf %div3A_157, %add3A_155 : vector<16xf32>
      %swap3A_159 = arith.index_cast %add3A_137 : i32 to index
      %swap3A_160 = arith.constant 0 : index
      %swap3A_161 = tpu.vector_load %arg8[%swap3A_159, %swap3A_160] {strides = array<i32>} : memref<128x64xf32, #tpu.memory_space<vmem>>, vector<1x16xf32>,
      %swap3A_162 = vector.shape_cast %swap3A_161 : vector<1x16xf32> to vector<16xf32>
      %swap3A_163 = vector.shape_cast %div3A_158 : vector<16xf32> to vector<1x16xf32>
      tpu.vector_store %arg8[%swap3A_159, %swap3A_160], %swap3A_163 {strides = array<i32>} : memref<128x64xf32, #tpu.memory_space<vmem>>, vector<1x16xf32>,
      %mul3A_164 = arith.constant 5.000000e-03 : f32
      %mul3A_165 = vector.broadcast %mul3A_164 : f32 to vector<16xf32>
      %mul3A_166 = arith.mulf %scan3A_144#1, %mul3A_165 : vector<16xf32>
      %neg3A_167 = arith.constant 0.000000e+00 : f32
      %neg3A_168 = vector.broadcast %neg3A_167 : f32 to vector<16xf32>
      %neg3A_169 = arith.subf %neg3A_168, %mul3A_166 : vector<16xf32>
      %exp3A_170 = math.exp %neg3A_169 : vector<16xf32>
      %add3A_171 = arith.constant 1.000000e+00 : f32
      %add3A_172 = vector.broadcast %add3A_171 : f32 to vector<16xf32>
      %add3A_173 = arith.addf %add3A_172, %exp3A_170 : vector<16xf32>
      %div3A_174 = arith.constant 1.000000e+00 : f32
      %div3A_175 = vector.broadcast %div3A_174 : f32 to vector<16xf32>
      %div3A_176 = arith.divf %div3A_175, %add3A_173 : vector<16xf32>
      %swap3A_177 = arith.index_cast %add3A_137 : i32 to index
      %swap3A_178 = arith.constant 16 : index
      %swap3A_179 = tpu.vector_load %arg8[%swap3A_177, %swap3A_178] {strides = array<i32>} : memref<128x64xf32, #tpu.memory_space<vmem>>, vector<1x16xf32>,
      %swap3A_180 = vector.shape_cast %swap3A_179 : vector<1x16xf32> to vector<16xf32>
      %swap3A_181 = vector.shape_cast %div3A_176 : vector<16xf32> to vector<1x16xf32>
      tpu.vector_store %arg8[%swap3A_177, %swap3A_178], %swap3A_181 {strides = array<i32>} : memref<128x64xf32, #tpu.memory_space<vmem>>, vector<1x16xf32>,
      %mul3A_182 = arith.constant 5.000000e-03 : f32
      %mul3A_183 = vector.broadcast %mul3A_182 : f32 to vector<16xf32>
      %mul3A_184 = arith.mulf %scan3A_144#2, %mul3A_183 : vector<16xf32>
      %neg3A_185 = arith.constant 0.000000e+00 : f32
      %neg3A_186 = vector.broadcast %neg3A_185 : f32 to vector<16xf32>
      %neg3A_187 = arith.subf %neg3A_186, %mul3A_184 : vector<16xf32>
      %exp3A_188 = math.exp %neg3A_187 : vector<16xf32>
      %add3A_189 = arith.constant 1.000000e+00 : f32
      %add3A_190 = vector.broadcast %add3A_189 : f32 to vector<16xf32>
      %add3A_191 = arith.addf %add3A_190, %exp3A_188 : vector<16xf32>
      %div3A_192 = arith.constant 1.000000e+00 : f32
      %div3A_193 = vector.broadcast %div3A_192 : f32 to vector<16xf32>
      %div3A_194 = arith.divf %div3A_193, %add3A_191 : vector<16xf32>
      %swap3A_195 = arith.index_cast %add3A_137 : i32 to index
      %swap3A_196 = arith.constant 32 : index
      %swap3A_197 = tpu.vector_load %arg8[%swap3A_195, %swap3A_196] {strides = array<i32>} : memref<128x64xf32, #tpu.memory_space<vmem>>, vector<1x16xf32>,
      %swap3A_198 = vector.shape_cast %swap3A_197 : vector<1x16xf32> to vector<16xf32>
      %swap3A_199 = vector.shape_cast %div3A_194 : vector<16xf32> to vector<1x16xf32>
      tpu.vector_store %arg8[%swap3A_195, %swap3A_196], %swap3A_199 {strides = array<i32>} : memref<128x64xf32, #tpu.memory_space<vmem>>, vector<1x16xf32>,
      %mul3A_200 = arith.constant 5.000000e-03 : f32
      %mul3A_201 = vector.broadcast %mul3A_200 : f32 to vector<16xf32>
      %mul3A_202 = arith.mulf %scan3A_144#3, %mul3A_201 : vector<16xf32>
      %neg3A_203 = arith.constant 0.000000e+00 : f32
      %neg3A_204 = vector.broadcast %neg3A_203 : f32 to vector<16xf32>
      %neg3A_205 = arith.subf %neg3A_204, %mul3A_202 : vector<16xf32>
      %exp3A_206 = math.exp %neg3A_205 : vector<16xf32>
      %add3A_207 = arith.constant 1.000000e+00 : f32
      %add3A_208 = vector.broadcast %add3A_207 : f32 to vector<16xf32>
      %add3A_209 = arith.addf %add3A_208, %exp3A_206 : vector<16xf32>
      %div3A_210 = arith.constant 1.000000e+00 : f32
      %div3A_211 = vector.broadcast %div3A_210 : f32 to vector<16xf32>
      %div3A_212 = arith.divf %div3A_211, %add3A_209 : vector<16xf32>
      %swap3A_213 = arith.index_cast %add3A_137 : i32 to index
      %swap3A_214 = arith.constant 48 : index
      %swap3A_215 = tpu.vector_load %arg8[%swap3A_213, %swap3A_214] {strides = array<i32>} : memref<128x64xf32, #tpu.memory_space<vmem>>, vector<1x16xf32>,
      %swap3A_216 = vector.shape_cast %swap3A_215 : vector<1x16xf32> to vector<16xf32>
      %swap3A_217 = vector.shape_cast %div3A_212 : vector<16xf32> to vector<1x16xf32>
      tpu.vector_store %arg8[%swap3A_213, %swap3A_214], %swap3A_217 {strides = array<i32>} : memref<128x64xf32, #tpu.memory_space<vmem>>, vector<1x16xf32>,
      %add3A_218 = arith.constant 3 : i32
      %add3A_219 = arith.addi %mul3A_45, %add3A_218 : i32
      %lt3A_220 = arith.constant 128 : i32
      %lt3A_221 = arith.cmpi slt, %add3A_219, %lt3A_220 : i32
      %convert_element_type3A_222 = arith.extui %lt3A_221 : i1 to i32
      %cond3A_223 = arith.constant 0 : i32
      %cond3A_224 = arith.cmpi ne, %convert_element_type3A_222, %cond3A_223 : i32
      scf.if %cond3A_224 {
        %add3A_225 = arith.constant 3 : i32
        %add3A_226 = arith.addi %mul3A_45, %add3A_225 : i32
        %mul3A_227 = arith.constant 200 : i32
        %mul3A_228 = arith.muli %add3A_226, %mul3A_227 : i32
        %dma_start3A_229 = arith.constant 0 : i32
        %dma_start3A_230 = arith.constant 0 : i32
        %dma_start3A_231 = tpu.memref_slice %arg7[%dma_start3A_229, %dma_start3A_230] : memref<200x64xf32, #tpu.memory_space<vmem>> -> memref<128x64xf32, #tpu.memory_space<vmem>>
        %dma_start3A_232 = tpu.memref_slice %arg5[%mul3A_228] : memref<25600xi32, #tpu.memory_space<vmem>> -> memref<128xi32, #tpu.memory_space<vmem>>
        %dma_start3A_233 = arith.constant 0 : i32
        %dma_start3A_234 = arith.constant 0 : i32
        %dma_start3A_235 = tpu.memref_slice %arg2[%dma_start3A_233, %dma_start3A_234] : memref<1000000x64xf32, #tpu.memory_space<hbm>> -> memref<1000000x64xf32, #tpu.memory_space<hbm>>
        tpu.enqueue_indirect_dma source(%dma_start3A_235 : memref<1000000x64xf32, #tpu.memory_space<hbm>>) target(%dma_start3A_231 : memref<128x64xf32, #tpu.memory_space<vmem>>) offsets(%dma_start3A_232 : memref<128xi32, #tpu.memory_space<vmem>>) semaphore(%arg10 : memref<!tpu.dma_semaphore, #tpu.memory_space<semaphore_mem>>)
        %add3A_236 = arith.constant 128 : i32
        %add3A_237 = arith.addi %mul3A_228, %add3A_236 : i32
        %dma_start3A_238 = arith.constant 128 : i32
        %dma_start3A_239 = arith.constant 0 : i32
        %dma_start3A_240 = tpu.memref_slice %arg7[%dma_start3A_238, %dma_start3A_239] : memref<200x64xf32, #tpu.memory_space<vmem>> -> memref<72x64xf32, #tpu.memory_space<vmem>>
        %dma_start3A_241 = tpu.memref_slice %arg5[%add3A_237] : memref<25600xi32, #tpu.memory_space<vmem>> -> memref<72xi32, #tpu.memory_space<vmem>>
        %dma_start3A_242 = arith.constant 0 : i32
        %dma_start3A_243 = arith.constant 0 : i32
        %dma_start3A_244 = tpu.memref_slice %arg2[%dma_start3A_242, %dma_start3A_243] : memref<1000000x64xf32, #tpu.memory_space<hbm>> -> memref<1000000x64xf32, #tpu.memory_space<hbm>>
        tpu.enqueue_indirect_dma source(%dma_start3A_244 : memref<1000000x64xf32, #tpu.memory_space<hbm>>) target(%dma_start3A_240 : memref<72x64xf32, #tpu.memory_space<vmem>>) offsets(%dma_start3A_241 : memref<72xi32, #tpu.memory_space<vmem>>) semaphore(%arg10 : memref<!tpu.dma_semaphore, #tpu.memory_space<semaphore_mem>>)
      } else {
      }
    }
    %scan3A_40 = arith.constant 64 : i32
    %mul3A_41 = arith.constant 128 : i32
    %mul3A_42 = arith.muli %add3A, %mul3A_41 : i32
    "tpu.region"() ({
      %run_scoped3A = tpu.sem_alloc : memref<!tpu.dma_semaphore, #tpu.memory_space<semaphore_mem>>
      %dma_start3A_43 = arith.constant 0 : i32
      %dma_start3A_44 = tpu.memref_slice %arg4[%mul3A_42, %dma_start3A_43] : memref<4096x64xf32, #tpu.memory_space<hbm>> -> memref<128x64xf32, #tpu.memory_space<hbm>>
      %dma_start3A_45 = arith.constant 0 : i32
      %dma_start3A_46 = tpu.memref_slice %arg4[%mul3A_42, %dma_start3A_45] : memref<4096x64xf32, #tpu.memory_space<hbm>> -> memref<128x64xf32, #tpu.memory_space<hbm>>
      tpu.enqueue_dma source(%arg8 : memref<128x64xf32, #tpu.memory_space<vmem>>) target(%dma_start3A_46 : memref<128x64xf32, #tpu.memory_space<hbm>>) target_semaphore(%run_scoped3A : memref<!tpu.dma_semaphore, #tpu.memory_space<semaphore_mem>>)
      %dma_wait3A = arith.constant 0 : i32
      %dma_wait3A_47 = tpu.memref_slice %arg4[%mul3A_42, %dma_wait3A] : memref<4096x64xf32, #tpu.memory_space<hbm>> -> memref<128x64xf32, #tpu.memory_space<hbm>>
      %dma_wait3A_48 = arith.constant 0 : i32
      %dma_wait3A_49 = tpu.memref_slice %arg4[%mul3A_42, %dma_wait3A_48] : memref<4096x64xf32, #tpu.memory_space<hbm>> -> memref<128x64xf32, #tpu.memory_space<hbm>>
      tpu.wait_dma2 semaphore(%run_scoped3A : memref<!tpu.dma_semaphore, #tpu.memory_space<semaphore_mem>>) src(%arg8 : memref<128x64xf32, #tpu.memory_space<vmem>>) dst(%dma_wait3A_49 : memref<128x64xf32, #tpu.memory_space<hbm>>)
      tpu.yield
    }) : () -> ()
    return
  }
}

</mosaic_0001>

<sc_bundles>
// kernel: kernel.3.cloned.1.call-start
scs
__scs_entry_jumppad:
0x0: {  	(pc) =	sbr.rel $0x88, $3  }
0x1: {  	(tag) =	ssettag $0x0;
	lr =	simm.s32 $0x1  }
0x2: {  	[smem:$0x3F9F] =	sst lr;
	_ =	strace $0xD0000000  }
0x3: {  	_ = 	snop  }
0x4: {  	_ = 	snop  }
0x5: {  	_ = 	snop  }
0x6: {  	_ = 	snop  }
0x7: {  	_ = 	snop  }
__scs_overlays_trampoline_lowered:
0x8: {  	[smem:$0x3FAE] =	sst s0  }
0x9: {  	[smem:$0x3FAF] =	sst s1  }
0xa: {  	[smem:$0x3FB0] =	sst s2  }
0xb: {  	[smem:$0x3FB1] =	sst s3  }
0xc: {  	[smem:$0x3FB2] =	sst s4  }
0xd: {  	[smem:$0x3FB3] =	sst s5  }
0xe: {  	[smem:$0x3FB4] =	sst s6  }
0xf: {  	[smem:$0x3FB5] =	sst s7  }
0x10: {  	[smem:$0x3FB6] =	sst s8  }
0x11: {  	[smem:$0x3FB7] =	sst s9;
	s0 =	simm.s32 @!p0 $0x0  }
0x12: {  	s1 =	sld [smem:$0x3F9D];
	s0 =	simm.s32 @p0 $0x1  }
0x13: {  	[smem:$0x3FB8] =	sst s0;
	s0 =	simm.s32 @!p1 $0x0  }
0x14: {  	s2 =	sld [smem:$0x3F9C];
	s0 =	simm.s32 @p1 $0x1  }
0x15: {  	[smem:$0x3FB9] =	sst s0;
	s0 =	simm.s32 @!p2 $0x0  }
0x16: {  	s3 =	sld [smem:$0x3FDB];
	s0 =	simm.s32 @p2 $0x1  }
0x17: {  	s4 =	simm.s32 $0x1BF5;
	[smem:$0x3FBB] =	sst s0  }
0x18: {  	s0 =	sld [smem:$0x3F9E];
	_ =	swait.ge [sflag:s4], $0x0  }
0x19: {  	s7 =	sld [smem:$0x3F9F]  }
0x1a: {  	s8 =	sadd.s32 $0xFFFFE003, lr  }
0x1b: {  	s9 =	sadd.s32 $0xFFFFFEF7, lr;
	s5 =	simm.s32 $0xFFFFFFFF;
	p2 =	slt.u32 s8, $0xFFFFF086  }
0x1c: {  	p1 =	slt.u32 s9, $0xF7A;
	s5 =	simm.s32 @!p2 $0x0  }
0x1d: {  	s5 =	simm.s32 @p1 $0x1;
	p0 =	seq.s32 s7, s2  }
0x1e: {  	s7 =	smul.u32 @!p0 $0xF7A, s2;
	p2 =	seq.s32 @!p0 s5, $0x0  }
0x1f: {  	s9 =	smul.u32 $0xF7A, s1;
	s8 =	simm.s32 @!p0 $0x1BF5;
	p2 =	por !p2, p0  }
0x20: {  	[sflag:s8] =	ssyncset.s32 @!p0 $0xFFFFF086;
	s6 =	sadd.s32 @!p0 s3, s7;
	s7 =	simm.s32 @!p0 $0x108  }
0x21: {  	s3 =	sadd.s32 s3, s9;
	s6 =	sadd.s32 @!p0 $0x88, s6;
	s7 =	simm.s32 @p2 $0x1082  }
0x22: {  	[simem:s7], [sflag:s8] =	dma.local @!p0 [hbm:s6], $0xF7A  }
0x23: {  	s9 =	sor.u32 $0xD0000000, s2;
	s6 =	simm.s32 $0x108;
	_ =	swait.ge @!p0 [sflag:s8], $0x0  }
0x24: {  	s3 =	sadd.s32 $0x88, s3;
	s6 =	simm.s32 @!p1 $0x1082;
	[sflag:s4] =	ssyncset.s32 $0xFFFFF086  }
0x25: {  	[simem:s6], [sflag:s4] =	dma.local [hbm:s3], $0xF7A  }
0x26: {  	[smem:$0x3F9F] =	sst s1;
	(tag) =	ssettag s2;
	_ =	strace s9  }
0x27: {  	s1 =	sld [smem:$0x3FAF]  }
0x28: {  	s2 =	sld [smem:$0x3FB0]  }
0x29: {  	s4 =	sld [smem:$0x3FB2]  }
0x2a: {  	p0 =	seq.s32 s5, $0x0;
	s5 =	sld [smem:$0x3FB3]  }
0x2b: {  	s6 =	sld [smem:$0x3FB4]  }
0x2c: {  	s7 =	sld [smem:$0x3FB5]  }
0x2d: {  	s3 =	simm.s32 $0x108;
	s8 =	sld [smem:$0x3FB6]  }
0x2e: {  	s3 =	simm.s32 @!p0 $0x1082;
	s9 =	sld [smem:$0x3FB7]  }
0x2f: {  	lr =	sadd.s32 s0, s3;
	s0 =	sld [smem:$0x3FAE]  }
0x30: {  	s3 =	sld [smem:$0x3FB1]  }
0x31: {  	[smem:$0x3FBA] =	sst s10  }
0x32: {  	s10 =	sld [smem:$0x3FB8];
	_ =	sdelay $0x3  }
0x33: {  	p0 =	seq.s32 s10, $0x1;
	s10 =	sld [smem:$0x3FBA];
	_ =	sdelay $0x3  }
0x34: {  	[smem:$0x3FBA] =	sst s10  }
0x35: {  	s10 =	sld [smem:$0x3FB9];
	_ =	sdelay $0x3  }
0x36: {  	p1 =	seq.s32 s10, $0x1;
	s10 =	sld [smem:$0x3FBA];
	_ =	sdelay $0x3  }
0x37: {  	[smem:$0x3FBA] =	sst s10  }
0x38: {  	s10 =	sld [smem:$0x3FBB]  }
0x39: {  	_ = 	snop;
	(pc) =	sbr.ind lr, $3  }
0x3a: {  	_ = 	snop  }
0x3b: {  	_ = 	snop  }
0x3c: {  	p2 =	seq.s32 s10, $0x1;
	s10 =	sld [smem:$0x3FBA]  }
0x3d: {  	_ =	shalt  }
0x3e: {  	_ =	shalt  }
0x3f: {  	_ =	shalt  }
0x40: {  	_ =	shalt  }
0x41: {  	_ =	shalt  }
0x42: {  	_ =	shalt  }
0x43: {  	_ =	shalt  }
0x44: {  	_ =	shalt  }
0x45: {  	_ =	shalt  }
0x46: {  	_ =	shalt  }
0x47: {  	_ =	shalt  }
0x48: {  	_ =	shalt  }
0x49: {  	_ =	shalt  }
0x4a: {  	_ =	shalt  }
0x4b: {  	_ =	shalt  }
0x4c: {  	_ =	shalt  }
0x4d: {  	_ =	shalt  }
0x4e: {  	_ =	shalt  }
0x4f: {  	_ =	shalt  }
0x50: {  	_ =	shalt  }
0x51: {  	_ =	shalt  }
0x52: {  	_ =	shalt  }
0x53: {  	_ =	shalt  }
0x54: {  	_ =	shalt  }
0x55: {  	_ =	shalt  }
0x56: {  	_ =	shalt  }
0x57: {  	_ =	shalt  }
0x58: {  	_ =	shalt  }
0x59: {  	_ =	shalt  }
0x5a: {  	_ =	shalt  }
0x5b: {  	_ =	shalt  }
0x5c: {  	_ =	shalt  }
0x5d: {  	_ =	shalt  }
0x5e: {  	_ =	shalt  }
0x5f: {  	_ =	shalt  }
0x60: {  	_ =	shalt  }
0x61: {  	_ =	shalt  }
0x62: {  	_ =	shalt  }
0x63: {  	_ =	shalt  }
0x64: {  	_ =	shalt  }
0x65: {  	_ =	shalt  }
0x66: {  	_ =	shalt  }
0x67: {  	_ =	shalt  }
0x68: {  	_ =	shalt  }
0x69: {  	_ =	shalt  }
0x6a: {  	_ =	shalt  }
0x6b: {  	_ =	shalt  }
0x6c: {  	_ =	shalt  }
0x6d: {  	_ =	shalt  }
0x6e: {  	_ =	shalt  }
0x6f: {  	_ =	shalt  }
0x70: {  	_ =	shalt  }
0x71: {  	_ =	shalt  }
0x72: {  	_ =	shalt  }
0x73: {  	_ =	shalt  }
0x74: {  	_ =	shalt  }
0x75: {  	_ =	shalt  }
0x76: {  	_ =	shalt  }
0x77: {  	_ =	shalt  }
0x78: {  	_ =	shalt  }
0x79: {  	_ =	shalt  }
0x7a: {  	_ =	shalt  }
0x7b: {  	_ =	shalt  }
0x7c: {  	_ =	shalt  }
0x7d: {  	_ =	shalt  }
0x7e: {  	_ =	shalt  }
0x7f: {  	_ =	shalt  }
0x80: {  	_ =	shalt  }
0x81: {  	_ =	shalt  }
0x82: {  	_ =	shalt  }
0x83: {  	_ =	shalt  }
0x84: {  	_ =	shalt  }
0x85: {  	_ =	shalt  }
0x86: {  	_ =	shalt  }
0x87: {  	_ =	shalt  }
.Lfunc_end0:
.L_simem_size_0:
called_computation_lowered:
.L_overlay_start_0:
0x88: {  	s2 =	sld [smem:$0x3FD9]  }
0x89: {  	s3 =	sld [smem:$0x3FFE];
	_ =	sdelay $0x1  }
0x8a: {  	s1 =	srdreg.scid  }
0x8b: {  	s0 =	sand.u32 $0x1, s1  }
0x8c: {  	s17 =	sshll.u32 s0, $0xA;
	s2 =	sadd.s32 s3, s2  }
0x8d: {  	s2 =	sadd.s32 s2, s17  }
0x8e: {  	[smem:$0x3FC6] =	sst s2  }
0x8f: {  	_ = 	snop  }
0x90: {  	s2 =	sld [smem:$0x3FD0];
	(tm) =	ssettm $0x1  }
0x91: {  	s18 =	sld [smem:$0x3FFB];
	_ =	sdelay $0x3  }
0x92: {  	_ =	strace s18  }
0x93: {  	s3 =	sld [smem:$0x3FFC];
	_ =	sdelay $0x3  }
0x94: {  	_ =	strace s3  }
0x95: {  	s3 =	sld [smem:$0x3FFD];
	_ =	sdelay $0x3  }
0x96: {  	_ =	strace s3  }
0x97: {  	_ =	strace $0x8FFFFFFF  }
0x98: {  	s19 =	sld [smem:$0x3FDB];
	_ =	sdelay $0x1  }
0x99: {  	s4 =	simm.s32 $_scs_section_size  }
0x9a: {  	s5 =	simm.s32 $_size__tile_overlayer_lowered;
	s6 =	simm.s32 $_tile_overlayer_lowered  }
0x9b: {  	s22 =	simm.s32 $0x1BFF;
	s21 =	sshll.u32 s6, $0x1;
	s3 =	sadd.s32 s4, s19  }
0x9c: {  	s7 =	simm.s32 $0x0;
	s20 =	sshll.u32 s5, $0x1;
	s5 =	sadd.s32 s21, s3  }
0x9d: {  	[timem:s7], [sflag:s22] =	dma.local [hbm:s5], s20  }
0x9e: {  	_ =	swait.ge [sflag:s22], s20  }
0x9f: {  	s4 =	ssub.s32 $0x0, s20;
	[sflag:s22] =	ssyncset.done $0x0  }
0xa0: {  	[sflag:s22] =	ssyncadd.s32 s4;
	_ =	sdelay $0x1  }
0xa1: {  	s23 =	simm.s32 $0x1B8B  }
0xa2: {  	_ =	swait.ge [sflag:s23], $0x1  }
0xa3: {  	[sflag:s23] =	ssyncset.done $0x0  }
0xa4: {  	s25 =	simm.s32 $0x1B8E;
	s24 =	sld [smem:$0x3FFE];
	[sflag:s23] =	ssyncadd.s32 $0xFFFFFFFF  }
0xa5: {  	s26 =	simm.s32 $execute0_lowered;
	[smem:$0x3FD2] =	sst s25  }
0xa6: {  	s5 =	sshll.u32 s26, $0x1;
	_ =	strace $0x80000046;
	[dreg:$0x1] =	wrdreg $0xFFFFFFFF  }
0xa7: {  	s28 =	simm.s32 $_size_execute0_lowered;
	s3 =	sadd.s32 s3, s5;
	[dreg:$0x0] =	wrdreg $0x0  }
0xa8: {  	s5 =	sshll.u32 s28, $0x1;
	[dreg:$0x2] =	wrdreg s3  }
0xa9: {  	[dreg:$0x3] =	wrdreg s5  }
0xaa: {  	[dreg:$0x4] =	wrdreg $0xC0  }
0xab: {  	_ =	task [dreg:s7], $0x5FFFF  }
0xac: {  	[dreg:$0x1] =	wrdreg $0xFFFFFFFF  }
0xad: {  	[dreg:$0x0] =	wrdreg $0x60  }
0xae: {  	[dreg:$0x2] =	wrdreg s24  }
0xaf: {  	[dreg:$0x3] =	wrdreg s2  }
0xb0: {  	[dreg:$0x4] =	wrdreg $0x9  }
0xb1: {  	_ =	task.clear_ibuf [dreg:s7], $0x5FFFF;
	_ =	strace $0x90000046  }
0xb2: {  	s29 =	simm.s32 $0x9;
	_ =	strace $0x80000048  }
0xb3: {  	_ =	swait.ge [sflag:s29], $0x1  }
0xb4: {  	[sflag:s29] =	ssyncadd.s32 $0xFFFFFFFF  }
0xb5: {  	_ =	strace $0x90000048  }
0xb6: {  	_ =	sfence  }
0xb7: {  	s30 =	sld [smem:$0x0];
	_ =	sdelay $0x2  }
0xb8: {  	s31 =	sshll.u32 s1, $0xD;
	s1 =	sshrl.u32 s1, $0x2  }
0xb9: {  	s3 =	sand.u32 $0x4000, s31;
	s1 =	sadd.s32 s1, s30  }
0xba: {  	s0 =	sor.u32 s3, s0;
	s1 =	sshll.u32 s1, $0x11  }
0xbb: {  	s0 =	sor.u32 s1, s0  }
0xbc: {  	s0 =	sadd.s32 $0x8F2B, s0  }
0xbd: {  	[sflag:s0] =	ssyncadd.remote.s32 $0x1  }
0xbe: {  	_ =	sfence.sel $0xFFFF  }
0xbf: {  	[dreg:$0x0] =	wrdreg $0xFFFFFFFF;
	(pc) =	sbr.abs _section_cstart, $3  }
0xc0: {  	[dreg:$0x1] =	wrdreg $0xFFFFFFFF  }
0xc1: {  	_ =	task.clear_ibuf [dreg:s7], $0x2FFFF;
	_ =	strace $0x9FFFFFFF  }
0xc2: {  	(tm) =	ssettm $0x7FFFFFFF  }
0xc3: {  	_ =	shalt  }
tec
execute0_lowered:
.L_overlay_start_1:
0x0: {  	(tag) =	ssettag $0x1  }
0x1: {  	s4 =	rddreg [dreg:$0x0];
	s1 =	srdreg.scid  }
0x2: {  	s0 =	stileid.u32;
	s5 =	rddreg [dreg:$0x1];
	s2 =	simm.s32 $0x0  }
0x3: {  	s9 =	simm.s32 $0x6400;
	s10 =	simm.s32 $0x48;
	s11 =	simm.s32 $0x8400  }
0x4: {  	s12 =	simm.s32 $0xC8;
	s13 =	simm.s32 $0x9600;
	s14 =	simm.s32 $0x148  }
0x5: {  	s15 =	simm.s32 $0xB600;
	s16 =	simm.s32 $0x1;
	s17 =	simm.s32 $0x2  }
0x6: {  	s18 =	simm.s32 $0xC800;
	s3 =	sand.u32 $0x1, s1;
	s1 =	rddreg [dreg:$0x2]  }
0x7: {  	s19 =	simm.s32 $0x0;
	s6 =	sshll.u32 s0, $0x1;
	[smem:$0x7FF] =	sst s2  }
.Ltmp0:
0x8: {  	s6 =	sor.u32 s3, s6;
	_ =	strace $0x80000047;
	(pc) =	sbr.rel .LBB2_1-.Ltmp0, $4  }
0x9: {  	s8 =	ssub.s32 $0x2, s3;
	s7 =	smul.u32 $0xC80, s6;
	s6 =	sshll.u32 s6, $0xA  }
0xa: {  	s3 =	sadd.s32 $0xF42A00, s4;
	s31 =	sshrl.u32 s8, $0x1;
	s5 =	sadd.s32 s5, s6  }
0xb: {  	s4 =	sadd.s32 s7, s4;
	s7 =	ssub.s32 s8, s31;
	s8 =	simm.s32 $0x80  }
0xc: {  	s4 =	sadd.s32 $0x600, s4;
	s6 =	smax.u32 s7, $0x1;
	s7 =	simm.s32 $0x3  }
.LBB2_8:
0xd: {  	s19 =	sadd.s32 $0x1, s19  }
0xe: {  	p0 =	sne.s32 s19, s6  }
.Ltmp1:
0xf: {  	_ = 	snop;
	(pc) =	sbr.rel @!p0 .LBB2_9-.Ltmp1, $4  }
0x10: {  	[hbm4b:s5+s2] =	stream.linear.scatter [tilespmem:s18], [sflag:$0x3], $0x2000, $0x38;
	[tilespmem:$0xE800] =	vst v63  }
0x11: {  	_ =	swait.ge [sflag:s7], $0x2000  }
0x12: {  	[sflag:s7] =	ssyncset.done $0x0  }
0x13: {  	[sflag:s7] =	ssyncadd.s32 $0xFFFFE000  }
.LBB2_1:
0x14: {  	[tilespmem:s2], [sflag:$0x3] =	stream.linear.gather [hbm4b:s4+s2], $0x6400, $0x38;
	[tilespmem:$0xE800] =	vst v63  }
0x15: {  	_ =	swait.ge [sflag:s7], $0x6400  }
0x16: {  	[sflag:s7] =	ssyncset.done $0x0  }
0x17: {  	[sflag:s7] =	ssyncadd.s32 $0xFFFF9C00  }
0x18: {  	[tilespmem:s9], [sflag:$0x1] =	stream.indirect.gather [hbm4b:s3+s8], $0x40, s2, s8, $0xb8;
	[tilespmem:$0xE800] =	vst v63  }
0x19: {  	_ = 	snop  }
0x1a: {  	[tilespmem:s11], [sflag:$0x1] =	stream.indirect.gather [hbm4b:s3+s10], $0x40, s8, s10, $0xb8;
	[tilespmem:$0xE800] =	vst v63  }
0x1b: {  	_ = 	snop  }
0x1c: {  	[tilespmem:s13], [sflag:$0x2] =	stream.indirect.gather [hbm4b:s3+s8], $0x40, s12, s8, $0xb8;
	[tilespmem:$0xE800] =	vst v63  }
0x1d: {  	s20 =	simm.s32 $0x0  }
0x1e: {  	[tilespmem:s15], [sflag:$0x2] =	stream.indirect.gather [hbm4b:s3+s10], $0x40, s14, s10, $0xb8;
	[tilespmem:$0xE800] =	vst v63  }
.LBB2_2:
0x1f: {  	_ =	swait.ge [sflag:s16], $0x3200  }
0x20: {  	[sflag:s16] =	ssyncset.done $0x0  }
0x21: {  	s21 =	simm.s32 $0x0;
	[sflag:s16] =	ssyncadd.s32 $0xFFFFCE00  }
0x22: {  	v3 =	vld [tilespmem:s21+$0x65C0]  }
0x23: {  	v0 =	vld [tilespmem:s21+$0x65D0]  }
0x24: {  	v2 =	vld [tilespmem:s21+$0x6580]  }
0x25: {  	v1 =	vld [tilespmem:s21+$0x6590]  }
0x26: {  	v5 =	vld [tilespmem:s21+$0x6540]  }
0x27: {  	v4 =	vld [tilespmem:s21+$0x6550]  }
0x28: {  	v8 =	vld [tilespmem:s21+$0x6500]  }
0x29: {  	v6 =	vld [tilespmem:s21+$0x6510]  }
0x2a: {  	v10 =	vld [tilespmem:s21+$0x64C0]  }
0x2b: {  	v9 =	vld [tilespmem:s21+$0x64D0]  }
0x2c: {  	v13 =	vld [tilespmem:s21+$0x6480]  }
0x2d: {  	v12 =	vld [tilespmem:s21+$0x6490]  }
0x2e: {  	v18 =	vld [tilespmem:s21+$0x6440]  }
0x2f: {  	v16 =	vld [tilespmem:s21+$0x6450]  }
0x30: {  	v20 =	vld [tilespmem:s21+$0x6400]  }
0x31: {  	v15 =	vimm.f32 $0.0e+00;
	v19 =	vld [tilespmem:s21+$0x6410]  }
0x32: {  	s22 =	simm.s32 $0x800;
	v14 =	vimm.f32 $0.0e+00;
	v11 =	vimm.f32 $0.0e+00;
	v7 =	vimm.f32 $0.0e+00;
	v17 =	vld [tilespmem:s21+$0x6420]  }
.LBB2_3:
0x33: {  	p0 =	sne.s32 s22, $0xC000;
	v21 =	vld [tilespmem:s21+$0x6430]  }
0x34: {  	v22 =	vld [tilespmem:s21+$0x6460]  }
0x35: {  	v23 =	vld [tilespmem:s21+$0x6470]  }
0x36: {  	v24 =	vld [tilespmem:s21+$0x64A0]  }
0x37: {  	v15 =	vadd.f32 v20, v15;
	v14 =	vadd.f32 v19, v14;
	v19 =	vld [tilespmem:s21+$0x64B0]  }
0x38: {  	v11 =	vadd.f32 v17, v11;
	v7 =	vadd.f32 v21, v7;
	v17 =	vld [tilespmem:s21+$0x64E0]  }
0x39: {  	v15 =	vadd.f32 v18, v15;
	v14 =	vadd.f32 v16, v14;
	v16 =	vld [tilespmem:s21+$0x64F0]  }
0x3a: {  	v11 =	vadd.f32 v22, v11;
	v7 =	vadd.f32 v23, v7;
	v18 =	vld [tilespmem:s21+$0x6520]  }
0x3b: {  	v13 =	vadd.f32 v13, v15;
	v12 =	vadd.f32 v12, v14;
	v14 =	vld [tilespmem:s21+$0x6530]  }
0x3c: {  	v11 =	vadd.f32 v24, v11;
	v7 =	vadd.f32 v19, v7;
	v15 =	vld [tilespmem:s21+$0x6560]  }
0x3d: {  	v10 =	vadd.f32 v10, v13;
	v9 =	vadd.f32 v9, v12;
	v12 =	vld [tilespmem:s21+$0x6570]  }
0x3e: {  	v11 =	vadd.f32 v17, v11;
	v7 =	vadd.f32 v16, v7;
	v13 =	vld [tilespmem:s21+$0x65A0]  }
0x3f: {  	v8 =	vadd.f32 v8, v10;
	v6 =	vadd.f32 v6, v9;
	v9 =	vld [tilespmem:s21+$0x65B0]  }
0x40: {  	v10 =	vadd.f32 v18, v11;
	v7 =	vadd.f32 v14, v7;
	v11 =	vld [tilespmem:s21+$0x65E0]  }
0x41: {  	v5 =	vadd.f32 v5, v8;
	v4 =	vadd.f32 v4, v6;
	v6 =	vld [tilespmem:s21+$0x65F0];
	s21 =	sshra.s32 s22, $0x2  }
0x42: {  	v10 =	vadd.f32 v15, v10;
	v8 =	vld [tilespmem:s21+$0x65C0];
	v7 =	vadd.f32 v12, v7  }
0x43: {  	v5 =	vadd.f32 v2, v5;
	v4 =	vadd.f32 v1, v4;
	v12 =	vld [tilespmem:s21+$0x65D0]  }
0x44: {  	v10 =	vadd.f32 v13, v10;
	v2 =	vld [tilespmem:s21+$0x6580];
	v7 =	vadd.f32 v9, v7  }
0x45: {  	v15 =	vadd.f32 v3, v5;
	v14 =	vadd.f32 v0, v4;
	v1 =	vld [tilespmem:s21+$0x6590]  }
0x46: {  	v11 =	vadd.f32 v11, v10;
	v5 =	vld [tilespmem:s21+$0x6540];
	v7 =	vadd.f32 v6, v7  }
0x47: {  	v4 =	vld [tilespmem:s21+$0x6550];
	v3 =	vmov v8  }
0x48: {  	v8 =	vld [tilespmem:s21+$0x6500];
	v0 =	vmov v12  }
0x49: {  	v6 =	vld [tilespmem:s21+$0x6510]  }
0x4a: {  	v10 =	vld [tilespmem:s21+$0x64C0]  }
0x4b: {  	v9 =	vld [tilespmem:s21+$0x64D0]  }
0x4c: {  	v13 =	vld [tilespmem:s21+$0x6480]  }
0x4d: {  	v12 =	vld [tilespmem:s21+$0x6490]  }
.Ltmp2:
0x4e: {  	v18 =	vld [tilespmem:s21+$0x6440];
	(pc) =	sbr.rel @p0 .LBB2_3-.Ltmp2, $4  }
0x4f: {  	v16 =	vld [tilespmem:s21+$0x6450]  }
0x50: {  	v20 =	vld [tilespmem:s21+$0x6400]  }
0x51: {  	v19 =	vld [tilespmem:s21+$0x6410]  }
0x52: {  	s22 =	sadd.s32 $0x800, s22;
	v17 =	vld [tilespmem:s21+$0x6420]  }
0x53: {  	_ =	sdelay $0x1  }
0x54: {  	v15 =	vadd.f32 v20, v15;
	_ =	sdelay $0x1  }
0x55: {  	v15 =	vadd.f32 v18, v15;
	_ =	sdelay $0x1  }
0x56: {  	v13 =	vadd.f32 v13, v15;
	_ =	sdelay $0x1  }
0x57: {  	v10 =	vadd.f32 v10, v13;
	_ =	sdelay $0x1  }
0x58: {  	v8 =	vadd.f32 v8, v10;
	_ =	sdelay $0x1  }
0x59: {  	v5 =	vadd.f32 v5, v8;
	_ =	sdelay $0x1  }
0x5a: {  	v2 =	vadd.f32 v2, v5  }
0x5b: {  	v5 =	vadd.f32 v19, v14  }
0x5c: {  	v2 =	vadd.f32 v3, v2  }
0x5d: {  	v3 =	vadd.f32 v16, v5  }
0x5e: {  	v2 =	vmul.f32 $4.999999890e-03, v2  }
0x5f: {  	v3 =	vadd.f32 v12, v3  }
0x60: {  	v2 =	vsub.f32 $0.0e+00, v2  }
0x61: {  	v3 =	vadd.f32 v9, v3  }
0x62: {  	v2 =	vmul.f32 $1.442695020e+00, v2  }
0x63: {  	v3 =	vadd.f32 v6, v3  }
0x64: {  	(erf) = vpow2.f32 v2  }
0x65: {  	v2 =	vld [tilespmem:s21+$0x6460];
	v3 =	vadd.f32 v4, v3;
	_ =	sdelay $0x1  }
0x66: {  	v4 =	vld [tilespmem:s21+$0x64A0];
	v1 =	vadd.f32 v1, v3  }
0x67: {  	v3 =	vadd.f32 v17, v11  }
0x68: {  	v5 =	vld [tilespmem:s21+$0x64E0];
	v0 =	vadd.f32 v0, v1  }
0x69: {  	v1 =	vadd.f32 v2, v3  }
0x6a: {  	v2 =	vld [tilespmem:s21+$0x6520];
	v0 =	vmul.f32 $4.999999890e-03, v0  }
0x6b: {  	v1 =	vadd.f32 v4, v1  }
0x6c: {  	v3 =	vld [tilespmem:s21+$0x6560];
	v0 =	vsub.f32 $0.0e+00, v0;
	v4 =	vpop (erf)  }
0x6d: {  	v1 =	vadd.f32 v5, v1;
	v4 =	vadd.f32 $1.000000000e+00, v4  }
0x6e: {  	v5 =	vld [tilespmem:s21+$0x65A0];
	v0 =	vmul.f32 $1.442695020e+00, v0  }
0x6f: {  	v6 =	vld [tilespmem:s21+$0x6430];
	v1 =	vadd.f32 v2, v1;
	(erf) = vrcp.f32 v4  }
0x70: {  	v2 =	vld [tilespmem:s21+$0x65E0];
	(erf) = vpow2.f32 v0  }
0x71: {  	v0 =	vld [tilespmem:s21+$0x6470];
	v1 =	vadd.f32 v3, v1;
	_ =	sdelay $0x1  }
0x72: {  	v3 =	vld [tilespmem:s21+$0x64B0];
	v1 =	vadd.f32 v5, v1  }
0x73: {  	v4 =	vadd.f32 v6, v7  }
0x74: {  	v5 =	vld [tilespmem:s21+$0x64F0];
	v1 =	vadd.f32 v2, v1  }
0x75: {  	v0 =	vadd.f32 v0, v4  }
0x76: {  	v2 =	vld [tilespmem:s21+$0x6530];
	v1 =	vmul.f32 $4.999999890e-03, v1  }
0x77: {  	v0 =	vadd.f32 v3, v0;
	v3 =	vpop (erf)  }
0x78: {  	v4 =	vld [tilespmem:s21+$0x6570];
	v1 =	vsub.f32 $0.0e+00, v1;
	v6 =	vpop (erf)  }
0x79: {  	v0 =	vadd.f32 v5, v0;
	v5 =	vadd.f32 $1.000000000e+00, v6  }
0x7a: {  	v6 =	vld [tilespmem:s21+$0x65B0];
	v1 =	vmul.f32 $1.442695020e+00, v1  }
0x7b: {  	v0 =	vadd.f32 v2, v0;
	(erf) = vrcp.f32 v5  }
0x7c: {  	v2 =	vld [tilespmem:s21+$0x65F0];
	(erf) = vpow2.f32 v1  }
0x7d: {  	v0 =	vadd.f32 v4, v0;
	_ =	sdelay $0x1  }
0x7e: {  	v0 =	vadd.f32 v6, v0;
	_ =	sdelay $0x1  }
0x7f: {  	v0 =	vadd.f32 v2, v0;
	_ =	sdelay $0x1  }
0x80: {  	v0 =	vmul.f32 $4.999999890e-03, v0  }
0x81: {  	v1 =	vpop (erf)  }
0x82: {  	v0 =	vsub.f32 $0.0e+00, v0;
	v2 =	vpop (erf)  }
0x83: {  	v2 =	vadd.f32 $1.000000000e+00, v2  }
0x84: {  	v0 =	vmul.f32 $1.442695020e+00, v0  }
0x85: {  	(erf) = vrcp.f32 v2  }
0x86: {  	(erf) = vpow2.f32 v0;
	_ =	sdelay $0x7  }
0x87: {  	v0 =	vpop (erf)  }
0x88: {  	v2 =	vpop (erf)  }
0x89: {  	v2 =	vadd.f32 $1.000000000e+00, v2;
	_ =	sdelay $0x1  }
0x8a: {  	(erf) = vrcp.f32 v2;
	_ =	sdelay $0x4  }
0x8b: {  	s31 =	sshll.u32 s20, $0x7  }
0x8c: {  	p0 =	seq.s32 s20, $0x3F;
	s21 =	sand.u32 $0x3FFFFF80, s31  }
0x8d: {  	s22 =	smul.u32 @!p0 $0x640, s20;
	[tilespmem:s21+$0xC800] =	vst v3  }
0x8e: {  	[tilespmem:s21+$0xC810] =	vst v1  }
0x8f: {  	s22 =	sshra.s32 @!p0 s22, $0x2;
	[tilespmem:s21+$0xC820] =	vst v0;
	v0 =	vpop (erf)  }
0x90: {  	s24 =	simm.s32 @!p0 $0x80;
	s25 =	simm.s32 @!p0 $0x6400;
	s23 =	sadd.s32 @!p0 $0x190, s22;
	[tilespmem:s21+$0xC830] =	vst v0  }
0x91: {  	[tilespmem:s25], [sflag:$0x1] =	stream.indirect.gather @!p0 [hbm4b:s3+s24], $0x40, s23, s24, $0xb8;
	[tilespmem:$0xE800] =	vst v63  }
0x92: {  	s22 =	sadd.s32 @!p0 $0x210, s22;
	s23 =	simm.s32 @!p0 $0x48;
	s24 =	simm.s32 @!p0 $0x8400  }
0x93: {  	[tilespmem:s24], [sflag:$0x1] =	stream.indirect.gather @!p0 [hbm4b:s3+s23], $0x40, s22, s23, $0xb8;
	[tilespmem:$0xE800] =	vst v63  }
0x94: {  	_ =	swait.ge [sflag:s17], $0x3200  }
0x95: {  	[sflag:s17] =	ssyncset.done $0x0  }
0x96: {  	s22 =	simm.s32 $0x0;
	[sflag:s17] =	ssyncadd.s32 $0xFFFFCE00  }
0x97: {  	v3 =	vld [tilespmem:s22+$0x97C0]  }
0x98: {  	v0 =	vld [tilespmem:s22+$0x97D0]  }
0x99: {  	v2 =	vld [tilespmem:s22+$0x9780]  }
0x9a: {  	v1 =	vld [tilespmem:s22+$0x9790]  }
0x9b: {  	v5 =	vld [tilespmem:s22+$0x9740]  }
0x9c: {  	v4 =	vld [tilespmem:s22+$0x9750]  }
0x9d: {  	v8 =	vld [tilespmem:s22+$0x9700]  }
0x9e: {  	v6 =	vld [tilespmem:s22+$0x9710]  }
0x9f: {  	v10 =	vld [tilespmem:s22+$0x96C0]  }
0xa0: {  	v9 =	vld [tilespmem:s22+$0x96D0]  }
0xa1: {  	v13 =	vld [tilespmem:s22+$0x9680]  }
0xa2: {  	v12 =	vld [tilespmem:s22+$0x9690]  }
0xa3: {  	v18 =	vld [tilespmem:s22+$0x9640]  }
0xa4: {  	v16 =	vld [tilespmem:s22+$0x9650]  }
0xa5: {  	v20 =	vld [tilespmem:s22+$0x9600]  }
0xa6: {  	v15 =	vimm.f32 $0.0e+00;
	v19 =	vld [tilespmem:s22+$0x9610]  }
0xa7: {  	v14 =	vimm.f32 $0.0e+00;
	v11 =	vimm.f32 $0.0e+00;
	v7 =	vimm.f32 $0.0e+00;
	s23 =	simm.s32 $0x800;
	v17 =	vld [tilespmem:s22+$0x9620]  }
.LBB2_5:
0xa8: {  	p1 =	sne.s32 s23, $0xC000;
	v21 =	vld [tilespmem:s22+$0x9630]  }
0xa9: {  	v22 =	vld [tilespmem:s22+$0x9660]  }
0xaa: {  	v23 =	vld [tilespmem:s22+$0x9670]  }
0xab: {  	v24 =	vld [tilespmem:s22+$0x96A0]  }
0xac: {  	v15 =	vadd.f32 v20, v15;
	v14 =	vadd.f32 v19, v14;
	v19 =	vld [tilespmem:s22+$0x96B0]  }
0xad: {  	v11 =	vadd.f32 v17, v11;
	v7 =	vadd.f32 v21, v7;
	v17 =	vld [tilespmem:s22+$0x96E0]  }
0xae: {  	v15 =	vadd.f32 v18, v15;
	v14 =	vadd.f32 v16, v14;
	v16 =	vld [tilespmem:s22+$0x96F0]  }
0xaf: {  	v11 =	vadd.f32 v22, v11;
	v7 =	vadd.f32 v23, v7;
	v18 =	vld [tilespmem:s22+$0x9720]  }
0xb0: {  	v13 =	vadd.f32 v13, v15;
	v12 =	vadd.f32 v12, v14;
	v14 =	vld [tilespmem:s22+$0x9730]  }
0xb1: {  	v11 =	vadd.f32 v24, v11;
	v7 =	vadd.f32 v19, v7;
	v15 =	vld [tilespmem:s22+$0x9760]  }
0xb2: {  	v10 =	vadd.f32 v10, v13;
	v9 =	vadd.f32 v9, v12;
	v12 =	vld [tilespmem:s22+$0x9770]  }
0xb3: {  	v11 =	vadd.f32 v17, v11;
	v7 =	vadd.f32 v16, v7;
	v13 =	vld [tilespmem:s22+$0x97A0]  }
0xb4: {  	v8 =	vadd.f32 v8, v10;
	v6 =	vadd.f32 v6, v9;
	v9 =	vld [tilespmem:s22+$0x97B0]  }
0xb5: {  	v10 =	vadd.f32 v18, v11;
	v7 =	vadd.f32 v14, v7;
	v11 =	vld [tilespmem:s22+$0x97E0]  }
0xb6: {  	v5 =	vadd.f32 v5, v8;
	v4 =	vadd.f32 v4, v6;
	v6 =	vld [tilespmem:s22+$0x97F0];
	s22 =	sshra.s32 s23, $0x2  }
0xb7: {  	v10 =	vadd.f32 v15, v10;
	v8 =	vld [tilespmem:s22+$0x97C0];
	v7 =	vadd.f32 v12, v7  }
0xb8: {  	v5 =	vadd.f32 v2, v5;
	v4 =	vadd.f32 v1, v4;
	v12 =	vld [tilespmem:s22+$0x97D0]  }
0xb9: {  	v10 =	vadd.f32 v13, v10;
	v2 =	vld [tilespmem:s22+$0x9780];
	v7 =	vadd.f32 v9, v7  }
0xba: {  	v15 =	vadd.f32 v3, v5;
	v14 =	vadd.f32 v0, v4;
	v1 =	vld [tilespmem:s22+$0x9790]  }
0xbb: {  	v11 =	vadd.f32 v11, v10;
	v5 =	vld [tilespmem:s22+$0x9740];
	v7 =	vadd.f32 v6, v7  }
0xbc: {  	v4 =	vld [tilespmem:s22+$0x9750];
	v3 =	vmov v8  }
0xbd: {  	v8 =	vld [tilespmem:s22+$0x9700];
	v0 =	vmov v12  }
0xbe: {  	v6 =	vld [tilespmem:s22+$0x9710]  }
0xbf: {  	v10 =	vld [tilespmem:s22+$0x96C0]  }
0xc0: {  	v9 =	vld [tilespmem:s22+$0x96D0]  }
0xc1: {  	v13 =	vld [tilespmem:s22+$0x9680]  }
0xc2: {  	v12 =	vld [tilespmem:s22+$0x9690]  }
.Ltmp3:
0xc3: {  	v18 =	vld [tilespmem:s22+$0x9640];
	(pc) =	sbr.rel @p1 .LBB2_5-.Ltmp3, $4  }
0xc4: {  	v16 =	vld [tilespmem:s22+$0x9650]  }
0xc5: {  	v20 =	vld [tilespmem:s22+$0x9600]  }
0xc6: {  	v19 =	vld [tilespmem:s22+$0x9610]  }
0xc7: {  	s23 =	sadd.s32 $0x800, s23;
	v17 =	vld [tilespmem:s22+$0x9620]  }
0xc8: {  	_ =	sdelay $0x1  }
0xc9: {  	v15 =	vadd.f32 v20, v15;
	_ =	sdelay $0x1  }
0xca: {  	v15 =	vadd.f32 v18, v15;
	_ =	sdelay $0x1  }
0xcb: {  	v13 =	vadd.f32 v13, v15;
	_ =	sdelay $0x1  }
0xcc: {  	v10 =	vadd.f32 v10, v13;
	_ =	sdelay $0x1  }
0xcd: {  	v8 =	vadd.f32 v8, v10;
	_ =	sdelay $0x1  }
0xce: {  	v5 =	vadd.f32 v5, v8;
	_ =	sdelay $0x1  }
0xcf: {  	v2 =	vadd.f32 v2, v5  }
0xd0: {  	v35 =	vadd.f32 v19, v14  }
0xd1: {  	v2 =	vadd.f32 v3, v2  }
0xd2: {  	v36 =	vadd.f32 v16, v35  }
0xd3: {  	v2 =	vmul.f32 $4.999999890e-03, v2  }
0xd4: {  	v3 =	vadd.f32 v12, v36  }
0xd5: {  	v2 =	vsub.f32 $0.0e+00, v2  }
0xd6: {  	v3 =	vadd.f32 v9, v3  }
0xd7: {  	v2 =	vmul.f32 $1.442695020e+00, v2  }
0xd8: {  	v3 =	vadd.f32 v6, v3  }
0xd9: {  	(erf) = vpow2.f32 v2  }
0xda: {  	v37 =	vld [tilespmem:s22+$0x9660];
	v3 =	vadd.f32 v4, v3;
	_ =	sdelay $0x1  }
0xdb: {  	v38 =	vld [tilespmem:s22+$0x96A0];
	v1 =	vadd.f32 v1, v3  }
0xdc: {  	v39 =	vadd.f32 v17, v11  }
0xdd: {  	v40 =	vld [tilespmem:s22+$0x96E0];
	v0 =	vadd.f32 v0, v1  }
0xde: {  	v41 =	vadd.f32 v37, v39  }
0xdf: {  	v42 =	vld [tilespmem:s22+$0x9720];
	v0 =	vmul.f32 $4.999999890e-03, v0  }
0xe0: {  	v1 =	vadd.f32 v38, v41  }
0xe1: {  	v43 =	vld [tilespmem:s22+$0x9760];
	v0 =	vsub.f32 $0.0e+00, v0;
	v44 =	vpop (erf)  }
0xe2: {  	v1 =	vadd.f32 v40, v1;
	v4 =	vadd.f32 $1.000000000e+00, v44  }
0xe3: {  	v45 =	vld [tilespmem:s22+$0x97A0];
	v0 =	vmul.f32 $1.442695020e+00, v0  }
0xe4: {  	v46 =	vld [tilespmem:s22+$0x9630];
	v1 =	vadd.f32 v42, v1;
	(erf) = vrcp.f32 v4  }
0xe5: {  	v47 =	vld [tilespmem:s22+$0x97E0];
	(erf) = vpow2.f32 v0  }
0xe6: {  	v48 =	vld [tilespmem:s22+$0x9670];
	v1 =	vadd.f32 v43, v1;
	_ =	sdelay $0x1  }
0xe7: {  	v49 =	vld [tilespmem:s22+$0x96B0];
	v1 =	vadd.f32 v45, v1  }
0xe8: {  	v50 =	vadd.f32 v46, v7  }
0xe9: {  	v51 =	vld [tilespmem:s22+$0x96F0];
	v1 =	vadd.f32 v47, v1  }
0xea: {  	v0 =	vadd.f32 v48, v50  }
0xeb: {  	v52 =	vld [tilespmem:s22+$0x9730];
	v1 =	vmul.f32 $4.999999890e-03, v1  }
0xec: {  	v0 =	vadd.f32 v49, v0;
	v53 =	vpop (erf)  }
0xed: {  	v54 =	vld [tilespmem:s22+$0x9770];
	v1 =	vsub.f32 $0.0e+00, v1;
	v55 =	vpop (erf)  }
0xee: {  	v0 =	vadd.f32 v51, v0;
	v56 =	vadd.f32 $1.000000000e+00, v55  }
0xef: {  	v57 =	vld [tilespmem:s22+$0x97B0];
	v1 =	vmul.f32 $1.442695020e+00, v1  }
0xf0: {  	v0 =	vadd.f32 v52, v0;
	(erf) = vrcp.f32 v56  }
0xf1: {  	v58 =	vld [tilespmem:s22+$0x97F0];
	(erf) = vpow2.f32 v1  }
0xf2: {  	v0 =	vadd.f32 v54, v0;
	_ =	sdelay $0x1  }
0xf3: {  	v0 =	vadd.f32 v57, v0;
	_ =	sdelay $0x1  }
0xf4: {  	v0 =	vadd.f32 v58, v0;
	_ =	sdelay $0x1  }
0xf5: {  	v0 =	vmul.f32 $4.999999890e-03, v0  }
0xf6: {  	v59 =	vpop (erf)  }
0xf7: {  	v0 =	vsub.f32 $0.0e+00, v0;
	v60 =	vpop (erf)  }
0xf8: {  	v2 =	vadd.f32 $1.000000000e+00, v60  }
0xf9: {  	v0 =	vmul.f32 $1.442695020e+00, v0  }
0xfa: {  	(erf) = vrcp.f32 v2  }
0xfb: {  	(erf) = vpow2.f32 v0;
	_ =	sdelay $0x7  }
0xfc: {  	v61 =	vpop (erf)  }
0xfd: {  	v62 =	vpop (erf)  }
0xfe: {  	v2 =	vadd.f32 $1.000000000e+00, v62;
	_ =	sdelay $0x1  }
0xff: {  	(erf) = vrcp.f32 v2;
	_ =	sdelay $0x5  }
.Ltmp4:
0x100: {  	_ = 	snop;
	(pc) =	sbr.rel @p0 .LBB2_8-.Ltmp4, $4  }
0x101: {  	[tilespmem:s21+$0xC840] =	vst v53  }
0x102: {  	[tilespmem:s21+$0xC850] =	vst v59  }
0x103: {  	[tilespmem:s21+$0xC860] =	vst v61;
	v63 =	vpop (erf)  }
0x104: {  	[tilespmem:s21+$0xC870] =	vst v63  }
0x105: {  	s21 =	smul.u32 $0x640, s20;
	_ =	sdelay $0x1  }
.Ltmp5:
0x106: {  	s21 =	sshra.s32 s21, $0x2;
	(pc) =	sbr.rel .LBB2_2-.Ltmp5, $4  }
0x107: {  	s22 =	sadd.s32 $0x258, s21  }
0x108: {  	[tilespmem:s13], [sflag:$0x2] =	stream.indirect.gather [hbm4b:s3+s8], $0x40, s22, s8, $0xb8;
	[tilespmem:$0xE800] =	vst v63  }
0x109: {  	s20 =	sadd.s32 $0x1, s20;
	s21 =	sadd.s32 $0x2D8, s21  }
0x10a: {  	[tilespmem:s15], [sflag:$0x2] =	stream.indirect.gather [hbm4b:s3+s10], $0x40, s21, s10, $0xb8;
	[tilespmem:$0xE800] =	vst v63  }
.LBB2_9:
0x10b: {  	_ =	sfence.sel $0x180000  }
0x10c: {  	[bflag:$0x0] =	sbarrier.arrive $0xFFFF  }
0x10d: {  	p0 =	sne.s32 s0, $0x0;
	_ =	strace $0x90000047  }
0x10e: {  	s0 =	sadd.s32 @!p0 $0x100000, s1;
	[bflag:$0x2] =	sbarrier.arrive $0xFFFF  }
0x10f: {  	[sflag:s0] =	ssyncadd.tile.s32 @!p0 $0x1;
	_ =	shalt  }
.Lfunc_end2:
_tile_overlayer_lowered:
.L_overlay_start_2:
0x110: {  	(tag) =	ssettag $0x2  }
0x111: {  	s0 =	rddreg [dreg:$0x0];
	s2 =	stileid.u32  }
0x112: {  	s1 =	rddreg [dreg:$0x1];
	p0 =	sne.s32 s2, $0x0  }
0x113: {  	s3 =	rddreg [dreg:$0x2];
	[bflag:$0x3] =	sbarrier.arrive $0xFFFF;
	s2 =	simm.s32 @!p0 $0x1C03  }
0x114: {  	[timem:s3], [sflag:s2] =	dma.local @!p0 [hbm:s0], s1  }
0x115: {  	s0 =	simm.s32 @!p0 $0x3  }
0x116: {  	_ =	swait.ge @!p0 [sflag:s0], s1  }
0x117: {  	s1 =	ssub.s32 @!p0 $0x0, s1;
	[sflag:s0] =	ssyncset.done @!p0 $0x0  }
0x118: {  	[sflag:s0] =	ssyncadd.s32 @!p0 s1  }
0x119: {  	[bflag:$0x3] =	sbarrier.arrive $0xFFFF  }
0x11a: {  	_ =	shalt  }

</sc_bundles>
